<compile_context>
chip_gen: v7x
topology: tpu7x:2x2x1
jax: 0.10.2.dev20260603
libtpu: 0.0.44.dev20260713+nightly
codegen_flags: <defaults>
</compile_context>

<pallas_src>
import functools

import jax
import jax.numpy as jnp
from jax import lax
from jax.experimental import pallas as pl
from jax.experimental.pallas import tpu as pltpu
from jax.experimental.pallas import tpu_sc as plsc

_B = 16384
_C = 1000

_info = plsc.get_sparse_core_info()
_NC = _info.num_cores
_NS = _info.num_subcores
_L = _info.num_lanes
_NW = _NC * _NS

_SC_COLS = 8192
_COLS_PER_W = _SC_COLS // _NW
_CHUNK_COLS = 128
_NCHUNK = _COLS_PER_W // _CHUNK_COLS

_TC_BLOCK = 1024
_TC_COLS = _B - _SC_COLS
_TC_BLK0 = _SC_COLS // _TC_BLOCK

_mesh = plsc.VectorSubcoreMesh(core_axis_name="c", subcore_axis_name="s")


@functools.partial(
    pl.kernel,
    mesh=_mesh,
    out_type=jax.ShapeDtypeStruct((_NW, _L), jnp.float32),
    scratch_types=[
        pltpu.VMEM((_COLS_PER_W,), jnp.int32),
        pltpu.VMEM((_C, _CHUNK_COLS), jnp.float32),
        pltpu.VMEM((_L,), jnp.float32),
        pltpu.SemaphoreType.DMA,
    ],
    compiler_params=pltpu.CompilerParams(use_tc_tiling_on_sc=True),
)
def _sc_partials(pred_hbm, label_hbm, out_hbm, lab_v, buf_v, acc_v, sem):
    wid = lax.axis_index("s") * _NC + lax.axis_index("c")
    base = wid * _COLS_PER_W

    pltpu.sync_copy(label_hbm.at[pl.ds(base, _COLS_PER_W)], lab_v)

    lane = lax.iota(jnp.int32, _L)
    acc = jnp.zeros((_L,), jnp.float32)
    for c in range(_NCHUNK):
        pltpu.async_copy(
            pred_hbm.at[:, pl.ds(base + c * _CHUNK_COLS, _CHUNK_COLS)],
            buf_v,
            sem,
        ).wait()

        def group(g, a):
            labs = lab_v[pl.ds(c * _CHUNK_COLS + g * _L, _L)]
            g16 = pl.multiple_of(g * _L, _L)
            for i in range(_L):
                v = buf_v[labs[i], pl.ds(g16, _L)]
                a = a + jnp.where(lane == i, v, jnp.float32(0.0))
            return a

        acc = lax.fori_loop(0, _CHUNK_COLS // _L, group, acc)

    acc_v[...] = acc
    pltpu.sync_copy(acc_v, out_hbm.at[wid])


def _tc_body(pred_ref, lab_ref, out_ref):
    i = pl.program_id(0)

    @pl.when(i == 0)
    def _():
        out_ref[0, 0] = jnp.float32(0.0)

    labs = lab_ref[0, 0, :]
    rows = lax.broadcasted_iota(jnp.int32, (_C, _TC_BLOCK), 0)
    sel = jnp.where(rows == labs[None, :], pred_ref[...], jnp.float32(0.0))
    out_ref[0, 0] += jnp.sum(sel)


_tc_sum = pl.pallas_call(
    _tc_body,
    grid=(_TC_COLS // _TC_BLOCK,),
    in_specs=[
        pl.BlockSpec((_C, _TC_BLOCK), lambda i: (0, _TC_BLK0 + i)),
        pl.BlockSpec((1, 1, _TC_BLOCK), lambda i: (_TC_BLK0 + i, 0, 0)),
    ],
    out_specs=pl.BlockSpec(
        (1, 1), lambda i: (0, 0), memory_space=pltpu.SMEM
    ),
    out_shape=jax.ShapeDtypeStruct((1, 1), jnp.float32),
    compiler_params=pltpu.CompilerParams(
        dimension_semantics=("arbitrary",)
    ),
)


def kernel(predict, label):
    pred_t = predict.T
    lab = label.astype(jnp.int32)
    sc_part = _sc_partials(pred_t, lab)
    tc_part = _tc_sum(pred_t, lab.reshape(_B // _TC_BLOCK, 1, _TC_BLOCK))
    return (sc_part.sum() + tc_part[0, 0]) / predict.shape[0]

# --- scband reference (transcript-rebuilt; emitter-appended) ---
"""Pipeline reference for scband-mleloss-16655883173980 (READ-ONLY COPY).

The authoritative reference and input builder live on the scoring server;
editing this copy changes nothing except your own understanding.
"""

import jax, jax.numpy as jnp
import numpy as np

B = 16384
C = 1000

def setup_inputs(seed: int = 0) -> dict:
    key = jax.random.key(seed)
    k1, k2 = jax.random.split(key)
    predict = jax.random.normal(k1, (B, C), dtype=jnp.float32)
    label = jax.random.randint(k2, (B,), 0, C, dtype=jnp.int64)
    return {"predict": predict, "label": label}

def reference(predict, label):
    # one_hot = torch.zeros_like(predict).long(); one_hot.scatter_(1, label.unsqueeze(1), 1)
    one_hot = jnp.zeros(predict.shape, dtype=jnp.int32)
    rows = jnp.arange(predict.shape[0])
    one_hot = one_hot.at[rows, label].set(1)
    # predict.mul(one_hot).sum() / predict.size(0)
    return (predict * one_hot).sum() / predict.shape[0]

if __name__ == "__main__":
    import jax
    _d = setup_inputs()
    print(jax.jit(kernel)(*tuple(_d.values())))

</pallas_src>

<mosaic_0001>
#map = affine_map<(d0, d1) -> (0, 0)>
#map1 = affine_map<(d0, d1) -> (0)>
module attributes {stable_mosaic.version = 14 : i64} {
  func.func @_sc_partials(%arg0: i32, %arg1: i32, %arg2: memref<1000x16384xf32, #tpu.memory_space<hbm>>, %arg3: memref<16384xi32, #tpu.memory_space<hbm>>, %arg4: memref<32x16xf32, #tpu.memory_space<hbm>>, %arg5: memref<256xi32, #tpu.memory_space<vmem>>, %arg6: memref<1000x128xf32, #tpu.memory_space<vmem>>, %arg7: memref<16xf32, #tpu.memory_space<vmem>>, %arg8: memref<!tpu.dma_semaphore, #tpu.memory_space<semaphore_mem>>) attributes {dimension_semantics = [#tpu.dimension_semantics<core_parallel>, #tpu.dimension_semantics<subcore_parallel>], iteration_bounds = array<i64: 2, 16>, scalar_prefetch = 0 : i64, scratch_operands = 4 : i64, tpu.core_type = #tpu.core_type<sc_vector_subcore>, window_params = [{transform_indices = #map}, {transform_indices = #map1}, {transform_indices = #map}]} {
    %mul3A = arith.constant 2 : i32
    %mul3A_0 = arith.muli %arg1, %mul3A : i32
    %add3A = arith.addi %mul3A_0, %arg0 : i32
    %mul3A_1 = arith.constant 256 : i32
    %mul3A_2 = arith.muli %add3A, %mul3A_1 : i32
    "tpu.region"() ({
      %run_scoped3A = tpu.sem_alloc : memref<!tpu.dma_semaphore, #tpu.memory_space<semaphore_mem>>
      %dma_start3A_36 = tpu.memref_slice %arg3[%mul3A_2] : memref<16384xi32, #tpu.memory_space<hbm>> -> memref<256xi32, #tpu.memory_space<hbm>>
      %dma_start3A_37 = tpu.memref_slice %arg3[%mul3A_2] : memref<16384xi32, #tpu.memory_space<hbm>> -> memref<256xi32, #tpu.memory_space<hbm>>
      tpu.enqueue_dma source(%dma_start3A_37 : memref<256xi32, #tpu.memory_space<hbm>>) target(%arg5 : memref<256xi32, #tpu.memory_space<vmem>>) target_semaphore(%run_scoped3A : memref<!tpu.dma_semaphore, #tpu.memory_space<semaphore_mem>>)
      %dma_wait3A_38 = tpu.memref_slice %arg3[%mul3A_2] : memref<16384xi32, #tpu.memory_space<hbm>> -> memref<256xi32, #tpu.memory_space<hbm>>
      %dma_wait3A_39 = tpu.memref_slice %arg3[%mul3A_2] : memref<16384xi32, #tpu.memory_space<hbm>> -> memref<256xi32, #tpu.memory_space<hbm>>
      tpu.wait_dma2 semaphore(%run_scoped3A : memref<!tpu.dma_semaphore, #tpu.memory_space<semaphore_mem>>) src(%dma_wait3A_39 : memref<256xi32, #tpu.memory_space<hbm>>) dst(%arg5 : memref<256xi32, #tpu.memory_space<vmem>>)
      tpu.yield
    }) : () -> ()
    %iota3A = tpu.iota {dimensions = array<i32: 0>} : vector<16xi32>
    %broadcast_in_dim3A = arith.constant 0.000000e+00 : f32
    %broadcast_in_dim3A_3 = vector.broadcast %broadcast_in_dim3A : f32 to vector<16xf32>
    %add3A_4 = arith.constant 0 : i32
    %add3A_5 = arith.addi %mul3A_2, %add3A_4 : i32
    %dma_start3A = arith.constant 0 : i32
    %dma_start3A_6 = tpu.memref_slice %arg2[%dma_start3A, %add3A_5] : memref<1000x16384xf32, #tpu.memory_space<hbm>> -> memref<1000x128xf32, #tpu.memory_space<hbm>>
    %dma_start3A_7 = arith.constant 0 : i32
    %dma_start3A_8 = tpu.memref_slice %arg2[%dma_start3A_7, %add3A_5] : memref<1000x16384xf32, #tpu.memory_space<hbm>> -> memref<1000x128xf32, #tpu.memory_space<hbm>>
    tpu.enqueue_dma source(%dma_start3A_8 : memref<1000x128xf32, #tpu.memory_space<hbm>>) target(%arg6 : memref<1000x128xf32, #tpu.memory_space<vmem>>) target_semaphore(%arg8 : memref<!tpu.dma_semaphore, #tpu.memory_space<semaphore_mem>>)
    %dma_wait3A = arith.constant 0 : i32
    %dma_wait3A_9 = tpu.memref_slice %arg2[%dma_wait3A, %add3A_5] : memref<1000x16384xf32, #tpu.memory_space<hbm>> -> memref<1000x128xf32, #tpu.memory_space<hbm>>
    %dma_wait3A_10 = arith.constant 0 : i32
    %dma_wait3A_11 = tpu.memref_slice %arg2[%dma_wait3A_10, %add3A_5] : memref<1000x16384xf32, #tpu.memory_space<hbm>> -> memref<1000x128xf32, #tpu.memory_space<hbm>>
    tpu.wait_dma2 semaphore(%arg8 : memref<!tpu.dma_semaphore, #tpu.memory_space<semaphore_mem>>) src(%dma_wait3A_11 : memref<1000x128xf32, #tpu.memory_space<hbm>>) dst(%arg6 : memref<1000x128xf32, #tpu.memory_space<vmem>>)
    %scan3A = arith.constant 0 : i32
    %scan3A_12 = arith.constant 8 : i32
    %scan3A_13 = arith.addi %scan3A, %scan3A_12 : i32
    %scan3A_14 = arith.constant 1 : i32
    %scan3A_15 = scf.for %scan3A_36 = %scan3A to %scan3A_13 step %scan3A_14 iter_args(%scan3A_37 = %broadcast_in_dim3A_3) -> (vector<16xf32>)  : i32 {
      %mul3A_38 = arith.constant 16 : i32
      %mul3A_39 = arith.muli %scan3A_36, %mul3A_38 : i32
      %add3A_40 = arith.constant 0 : i32
      %add3A_41 = arith.addi %add3A_40, %mul3A_39 : i32
      %get3A = arith.index_cast %add3A_41 : i32 to index
      %get3A_42 = tpu.vector_load %arg5[%get3A] {strides = array<i32>} : memref<256xi32, #tpu.memory_space<vmem>>, vector<16xi32>,
      %get3A_43 = vector.shape_cast %get3A_42 : vector<16xi32> to vector<16xi32>
      %mul3A_44 = arith.constant 16 : i32
      %mul3A_45 = arith.muli %scan3A_36, %mul3A_44 : i32
      %multiple_of3A = tpu.assume_multiple %mul3A_45, 16 : i32
      %slice3A = vector.extract_strided_slice %get3A_43 {offsets = [0], sizes = [1], strides = [1]} : vector<16xi32> to vector<1xi32>
      %squeeze3A = vector.extract %slice3A[0] : i32 from vector<1xi32>
      %get3A_46 = arith.index_cast %squeeze3A : i32 to index
      %get3A_47 = arith.index_cast %multiple_of3A : i32 to index
      %get3A_48 = tpu.vector_load %arg6[%get3A_46, %get3A_47] {strides = array<i32>} : memref<1000x128xf32, #tpu.memory_space<vmem>>, vector<1x16xf32>,
      %get3A_49 = vector.shape_cast %get3A_48 : vector<1x16xf32> to vector<16xf32>
      %eq3A = arith.constant 0 : i32
      %eq3A_50 = vector.broadcast %eq3A : i32 to vector<16xi32>
      %eq3A_51 = arith.cmpi eq, %iota3A, %eq3A_50 : vector<16xi32>
      %jit3A = arith.constant 0.000000e+00 : f32
      %broadcast_in_dim3A_52 = vector.broadcast %jit3A : f32 to vector<16xf32>
      %select_n3A = arith.select %eq3A_51, %get3A_49, %broadcast_in_dim3A_52 : vector<16xi1>, vector<16xf32>
      %add3A_53 = arith.addf %scan3A_37, %select_n3A : vector<16xf32>
      %slice3A_54 = vector.extract_strided_slice %get3A_43 {offsets = [1], sizes = [1], strides = [1]} : vector<16xi32> to vector<1xi32>
      %squeeze3A_55 = vector.extract %slice3A_54[0] : i32 from vector<1xi32>
      %get3A_56 = arith.index_cast %squeeze3A_55 : i32 to index
      %get3A_57 = arith.index_cast %multiple_of3A : i32 to index
      %get3A_58 = tpu.vector_load %arg6[%get3A_56, %get3A_57] {strides = array<i32>} : memref<1000x128xf32, #tpu.memory_space<vmem>>, vector<1x16xf32>,
      %get3A_59 = vector.shape_cast %get3A_58 : vector<1x16xf32> to vector<16xf32>
      %eq3A_60 = arith.constant 1 : i32
      %eq3A_61 = vector.broadcast %eq3A_60 : i32 to vector<16xi32>
      %eq3A_62 = arith.cmpi eq, %iota3A, %eq3A_61 : vector<16xi32>
      %jit3A_63 = arith.constant 0.000000e+00 : f32
      %broadcast_in_dim3A_64 = vector.broadcast %jit3A_63 : f32 to vector<16xf32>
      %select_n3A_65 = arith.select %eq3A_62, %get3A_59, %broadcast_in_dim3A_64 : vector<16xi1>, vector<16xf32>
      %add3A_66 = arith.addf %add3A_53, %select_n3A_65 : vector<16xf32>
      %slice3A_67 = vector.extract_strided_slice %get3A_43 {offsets = [2], sizes = [1], strides = [1]} : vector<16xi32> to vector<1xi32>
      %squeeze3A_68 = vector.extract %slice3A_67[0] : i32 from vector<1xi32>
      %get3A_69 = arith.index_cast %squeeze3A_68 : i32 to index
      %get3A_70 = arith.index_cast %multiple_of3A : i32 to index
      %get3A_71 = tpu.vector_load %arg6[%get3A_69, %get3A_70] {strides = array<i32>} : memref<1000x128xf32, #tpu.memory_space<vmem>>, vector<1x16xf32>,
      %get3A_72 = vector.shape_cast %get3A_71 : vector<1x16xf32> to vector<16xf32>
      %eq3A_73 = arith.constant 2 : i32
      %eq3A_74 = vector.broadcast %eq3A_73 : i32 to vector<16xi32>
      %eq3A_75 = arith.cmpi eq, %iota3A, %eq3A_74 : vector<16xi32>
      %jit3A_76 = arith.constant 0.000000e+00 : f32
      %broadcast_in_dim3A_77 = vector.broadcast %jit3A_76 : f32 to vector<16xf32>
      %select_n3A_78 = arith.select %eq3A_75, %get3A_72, %broadcast_in_dim3A_77 : vector<16xi1>, vector<16xf32>
      %add3A_79 = arith.addf %add3A_66, %select_n3A_78 : vector<16xf32>
      %slice3A_80 = vector.extract_strided_slice %get3A_43 {offsets = [3], sizes = [1], strides = [1]} : vector<16xi32> to vector<1xi32>
      %squeeze3A_81 = vector.extract %slice3A_80[0] : i32 from vector<1xi32>
      %get3A_82 = arith.index_cast %squeeze3A_81 : i32 to index
      %get3A_83 = arith.index_cast %multiple_of3A : i32 to index
      %get3A_84 = tpu.vector_load %arg6[%get3A_82, %get3A_83] {strides = array<i32>} : memref<1000x128xf32, #tpu.memory_space<vmem>>, vector<1x16xf32>,
      %get3A_85 = vector.shape_cast %get3A_84 : vector<1x16xf32> to vector<16xf32>
      %eq3A_86 = arith.constant 3 : i32
      %eq3A_87 = vector.broadcast %eq3A_86 : i32 to vector<16xi32>
      %eq3A_88 = arith.cmpi eq, %iota3A, %eq3A_87 : vector<16xi32>
      %jit3A_89 = arith.constant 0.000000e+00 : f32
      %broadcast_in_dim3A_90 = vector.broadcast %jit3A_89 : f32 to vector<16xf32>
      %select_n3A_91 = arith.select %eq3A_88, %get3A_85, %broadcast_in_dim3A_90 : vector<16xi1>, vector<16xf32>
      %add3A_92 = arith.addf %add3A_79, %select_n3A_91 : vector<16xf32>
      %slice3A_93 = vector.extract_strided_slice %get3A_43 {offsets = [4], sizes = [1], strides = [1]} : vector<16xi32> to vector<1xi32>
      %squeeze3A_94 = vector.extract %slice3A_93[0] : i32 from vector<1xi32>
      %get3A_95 = arith.index_cast %squeeze3A_94 : i32 to index
      %get3A_96 = arith.index_cast %multiple_of3A : i32 to index
      %get3A_97 = tpu.vector_load %arg6[%get3A_95, %get3A_96] {strides = array<i32>} : memref<1000x128xf32, #tpu.memory_space<vmem>>, vector<1x16xf32>,
      %get3A_98 = vector.shape_cast %get3A_97 : vector<1x16xf32> to vector<16xf32>
      %eq3A_99 = arith.constant 4 : i32
      %eq3A_100 = vector.broadcast %eq3A_99 : i32 to vector<16xi32>
      %eq3A_101 = arith.cmpi eq, %iota3A, %eq3A_100 : vector<16xi32>
      %jit3A_102 = arith.constant 0.000000e+00 : f32
      %broadcast_in_dim3A_103 = vector.broadcast %jit3A_102 : f32 to vector<16xf32>
      %select_n3A_104 = arith.select %eq3A_101, %get3A_98, %broadcast_in_dim3A_103 : vector<16xi1>, vector<16xf32>
      %add3A_105 = arith.addf %add3A_92, %select_n3A_104 : vector<16xf32>
      %slice3A_106 = vector.extract_strided_slice %get3A_43 {offsets = [5], sizes = [1], strides = [1]} : vector<16xi32> to vector<1xi32>
      %squeeze3A_107 = vector.extract %slice3A_106[0] : i32 from vector<1xi32>
      %get3A_108 = arith.index_cast %squeeze3A_107 : i32 to index
      %get3A_109 = arith.index_cast %multiple_of3A : i32 to index
      %get3A_110 = tpu.vector_load %arg6[%get3A_108, %get3A_109] {strides = array<i32>} : memref<1000x128xf32, #tpu.memory_space<vmem>>, vector<1x16xf32>,
      %get3A_111 = vector.shape_cast %get3A_110 : vector<1x16xf32> to vector<16xf32>
      %eq3A_112 = arith.constant 5 : i32
      %eq3A_113 = vector.broadcast %eq3A_112 : i32 to vector<16xi32>
      %eq3A_114 = arith.cmpi eq, %iota3A, %eq3A_113 : vector<16xi32>
      %jit3A_115 = arith.constant 0.000000e+00 : f32
      %broadcast_in_dim3A_116 = vector.broadcast %jit3A_115 : f32 to vector<16xf32>
      %select_n3A_117 = arith.select %eq3A_114, %get3A_111, %broadcast_in_dim3A_116 : vector<16xi1>, vector<16xf32>
      %add3A_118 = arith.addf %add3A_105, %select_n3A_117 : vector<16xf32>
      %slice3A_119 = vector.extract_strided_slice %get3A_43 {offsets = [6], sizes = [1], strides = [1]} : vector<16xi32> to vector<1xi32>
      %squeeze3A_120 = vector.extract %slice3A_119[0] : i32 from vector<1xi32>
      %get3A_121 = arith.index_cast %squeeze3A_120 : i32 to index
      %get3A_122 = arith.index_cast %multiple_of3A : i32 to index
      %get3A_123 = tpu.vector_load %arg6[%get3A_121, %get3A_122] {strides = array<i32>} : memref<1000x128xf32, #tpu.memory_space<vmem>>, vector<1x16xf32>,
      %get3A_124 = vector.shape_cast %get3A_123 : vector<1x16xf32> to vector<16xf32>
      %eq3A_125 = arith.constant 6 : i32
      %eq3A_126 = vector.broadcast %eq3A_125 : i32 to vector<16xi32>
      %eq3A_127 = arith.cmpi eq, %iota3A, %eq3A_126 : vector<16xi32>
      %jit3A_128 = arith.constant 0.000000e+00 : f32
      %broadcast_in_dim3A_129 = vector.broadcast %jit3A_128 : f32 to vector<16xf32>
      %select_n3A_130 = arith.select %eq3A_127, %get3A_124, %broadcast_in_dim3A_129 : vector<16xi1>, vector<16xf32>
      %add3A_131 = arith.addf %add3A_118, %select_n3A_130 : vector<16xf32>
      %slice3A_132 = vector.extract_strided_slice %get3A_43 {offsets = [7], sizes = [1], strides = [1]} : vector<16xi32> to vector<1xi32>
      %squeeze3A_133 = vector.extract %slice3A_132[0] : i32 from vector<1xi32>
      %get3A_134 = arith.index_cast %squeeze3A_133 : i32 to index
      %get3A_135 = arith.index_cast %multiple_of3A : i32 to index
      %get3A_136 = tpu.vector_load %arg6[%get3A_134, %get3A_135] {strides = array<i32>} : memref<1000x128xf32, #tpu.memory_space<vmem>>, vector<1x16xf32>,
      %get3A_137 = vector.shape_cast %get3A_136 : vector<1x16xf32> to vector<16xf32>
      %eq3A_138 = arith.constant 7 : i32
      %eq3A_139 = vector.broadcast %eq3A_138 : i32 to vector<16xi32>
      %eq3A_140 = arith.cmpi eq, %iota3A, %eq3A_139 : vector<16xi32>
      %jit3A_141 = arith.constant 0.000000e+00 : f32
      %broadcast_in_dim3A_142 = vector.broadcast %jit3A_141 : f32 to vector<16xf32>
      %select_n3A_143 = arith.select %eq3A_140, %get3A_137, %broadcast_in_dim3A_142 : vector<16xi1>, vector<16xf32>
      %add3A_144 = arith.addf %add3A_131, %select_n3A_143 : vector<16xf32>
      %slice3A_145 = vector.extract_strided_slice %get3A_43 {offsets = [8], sizes = [1], strides = [1]} : vector<16xi32> to vector<1xi32>
      %squeeze3A_146 = vector.extract %slice3A_145[0] : i32 from vector<1xi32>
      %get3A_147 = arith.index_cast %squeeze3A_146 : i32 to index
      %get3A_148 = arith.index_cast %multiple_of3A : i32 to index
      %get3A_149 = tpu.vector_load %arg6[%get3A_147, %get3A_148] {strides = array<i32>} : memref<1000x128xf32, #tpu.memory_space<vmem>>, vector<1x16xf32>,
      %get3A_150 = vector.shape_cast %get3A_149 : vector<1x16xf32> to vector<16xf32>
      %eq3A_151 = arith.constant 8 : i32
      %eq3A_152 = vector.broadcast %eq3A_151 : i32 to vector<16xi32>
      %eq3A_153 = arith.cmpi eq, %iota3A, %eq3A_152 : vector<16xi32>
      %jit3A_154 = arith.constant 0.000000e+00 : f32
      %broadcast_in_dim3A_155 = vector.broadcast %jit3A_154 : f32 to vector<16xf32>
      %select_n3A_156 = arith.select %eq3A_153, %get3A_150, %broadcast_in_dim3A_155 : vector<16xi1>, vector<16xf32>
      %add3A_157 = arith.addf %add3A_144, %select_n3A_156 : vector<16xf32>
      %slice3A_158 = vector.extract_strided_slice %get3A_43 {offsets = [9], sizes = [1], strides = [1]} : vector<16xi32> to vector<1xi32>
      %squeeze3A_159 = vector.extract %slice3A_158[0] : i32 from vector<1xi32>
      %get3A_160 = arith.index_cast %squeeze3A_159 : i32 to index
      %get3A_161 = arith.index_cast %multiple_of3A : i32 to index
      %get3A_162 = tpu.vector_load %arg6[%get3A_160, %get3A_161] {strides = array<i32>} : memref<1000x128xf32, #tpu.memory_space<vmem>>, vector<1x16xf32>,
      %get3A_163 = vector.shape_cast %get3A_162 : vector<1x16xf32> to vector<16xf32>
      %eq3A_164 = arith.constant 9 : i32
      %eq3A_165 = vector.broadcast %eq3A_164 : i32 to vector<16xi32>
      %eq3A_166 = arith.cmpi eq, %iota3A, %eq3A_165 : vector<16xi32>
      %jit3A_167 = arith.constant 0.000000e+00 : f32
      %broadcast_in_dim3A_168 = vector.broadcast %jit3A_167 : f32 to vector<16xf32>
      %select_n3A_169 = arith.select %eq3A_166, %get3A_163, %broadcast_in_dim3A_168 : vector<16xi1>, vector<16xf32>
      %add3A_170 = arith.addf %add3A_157, %select_n3A_169 : vector<16xf32>
      %slice3A_171 = vector.extract_strided_slice %get3A_43 {offsets = [10], sizes = [1], strides = [1]} : vector<16xi32> to vector<1xi32>
      %squeeze3A_172 = vector.extract %slice3A_171[0] : i32 from vector<1xi32>
      %get3A_173 = arith.index_cast %squeeze3A_172 : i32 to index
      %get3A_174 = arith.index_cast %multiple_of3A : i32 to index
      %get3A_175 = tpu.vector_load %arg6[%get3A_173, %get3A_174] {strides = array<i32>} : memref<1000x128xf32, #tpu.memory_space<vmem>>, vector<1x16xf32>,
      %get3A_176 = vector.shape_cast %get3A_175 : vector<1x16xf32> to vector<16xf32>
      %eq3A_177 = arith.constant 10 : i32
      %eq3A_178 = vector.broadcast %eq3A_177 : i32 to vector<16xi32>
      %eq3A_179 = arith.cmpi eq, %iota3A, %eq3A_178 : vector<16xi32>
      %jit3A_180 = arith.constant 0.000000e+00 : f32
      %broadcast_in_dim3A_181 = vector.broadcast %jit3A_180 : f32 to vector<16xf32>
      %select_n3A_182 = arith.select %eq3A_179, %get3A_176, %broadcast_in_dim3A_181 : vector<16xi1>, vector<16xf32>
      %add3A_183 = arith.addf %add3A_170, %select_n3A_182 : vector<16xf32>
      %slice3A_184 = vector.extract_strided_slice %get3A_43 {offsets = [11], sizes = [1], strides = [1]} : vector<16xi32> to vector<1xi32>
      %squeeze3A_185 = vector.extract %slice3A_184[0] : i32 from vector<1xi32>
      %get3A_186 = arith.index_cast %squeeze3A_185 : i32 to index
      %get3A_187 = arith.index_cast %multiple_of3A : i32 to index
      %get3A_188 = tpu.vector_load %arg6[%get3A_186, %get3A_187] {strides = array<i32>} : memref<1000x128xf32, #tpu.memory_space<vmem>>, vector<1x16xf32>,
      %get3A_189 = vector.shape_cast %get3A_188 : vector<1x16xf32> to vector<16xf32>
      %eq3A_190 = arith.constant 11 : i32
      %eq3A_191 = vector.broadcast %eq3A_190 : i32 to vector<16xi32>
      %eq3A_192 = arith.cmpi eq, %iota3A, %eq3A_191 : vector<16xi32>
      %jit3A_193 = arith.constant 0.000000e+00 : f32
      %broadcast_in_dim3A_194 = vector.broadcast %jit3A_193 : f32 to vector<16xf32>
      %select_n3A_195 = arith.select %eq3A_192, %get3A_189, %broadcast_in_dim3A_194 : vector<16xi1>, vector<16xf32>
      %add3A_196 = arith.addf %add3A_183, %select_n3A_195 : vector<16xf32>
      %slice3A_197 = vector.extract_strided_slice %get3A_43 {offsets = [12], sizes = [1], strides = [1]} : vector<16xi32> to vector<1xi32>
      %squeeze3A_198 = vector.extract %slice3A_197[0] : i32 from vector<1xi32>
      %get3A_199 = arith.index_cast %squeeze3A_198 : i32 to index
      %get3A_200 = arith.index_cast %multiple_of3A : i32 to index
      %get3A_201 = tpu.vector_load %arg6[%get3A_199, %get3A_200] {strides = array<i32>} : memref<1000x128xf32, #tpu.memory_space<vmem>>, vector<1x16xf32>,
      %get3A_202 = vector.shape_cast %get3A_201 : vector<1x16xf32> to vector<16xf32>
      %eq3A_203 = arith.constant 12 : i32
      %eq3A_204 = vector.broadcast %eq3A_203 : i32 to vector<16xi32>
      %eq3A_205 = arith.cmpi eq, %iota3A, %eq3A_204 : vector<16xi32>
      %jit3A_206 = arith.constant 0.000000e+00 : f32
      %broadcast_in_dim3A_207 = vector.broadcast %jit3A_206 : f32 to vector<16xf32>
      %select_n3A_208 = arith.select %eq3A_205, %get3A_202, %broadcast_in_dim3A_207 : vector<16xi1>, vector<16xf32>
      %add3A_209 = arith.addf %add3A_196, %select_n3A_208 : vector<16xf32>
      %slice3A_210 = vector.extract_strided_slice %get3A_43 {offsets = [13], sizes = [1], strides = [1]} : vector<16xi32> to vector<1xi32>
      %squeeze3A_211 = vector.extract %slice3A_210[0] : i32 from vector<1xi32>
      %get3A_212 = arith.index_cast %squeeze3A_211 : i32 to index
      %get3A_213 = arith.index_cast %multiple_of3A : i32 to index
      %get3A_214 = tpu.vector_load %arg6[%get3A_212, %get3A_213] {strides = array<i32>} : memref<1000x128xf32, #tpu.memory_space<vmem>>, vector<1x16xf32>,
      %get3A_215 = vector.shape_cast %get3A_214 : vector<1x16xf32> to vector<16xf32>
      %eq3A_216 = arith.constant 13 : i32
      %eq3A_217 = vector.broadcast %eq3A_216 : i32 to vector<16xi32>
      %eq3A_218 = arith.cmpi eq, %iota3A, %eq3A_217 : vector<16xi32>
      %jit3A_219 = arith.constant 0.000000e+00 : f32
      %broadcast_in_dim3A_220 = vector.broadcast %jit3A_219 : f32 to vector<16xf32>
      %select_n3A_221 = arith.select %eq3A_218, %get3A_215, %broadcast_in_dim3A_220 : vector<16xi1>, vector<16xf32>
      %add3A_222 = arith.addf %add3A_209, %select_n3A_221 : vector<16xf32>
      %slice3A_223 = vector.extract_strided_slice %get3A_43 {offsets = [14], sizes = [1], strides = [1]} : vector<16xi32> to vector<1xi32>
      %squeeze3A_224 = vector.extract %slice3A_223[0] : i32 from vector<1xi32>
      %get3A_225 = arith.index_cast %squeeze3A_224 : i32 to index
      %get3A_226 = arith.index_cast %multiple_of3A : i32 to index
      %get3A_227 = tpu.vector_load %arg6[%get3A_225, %get3A_226] {strides = array<i32>} : memref<1000x128xf32, #tpu.memory_space<vmem>>, vector<1x16xf32>,
      %get3A_228 = vector.shape_cast %get3A_227 : vector<1x16xf32> to vector<16xf32>
      %eq3A_229 = arith.constant 14 : i32
      %eq3A_230 = vector.broadcast %eq3A_229 : i32 to vector<16xi32>
      %eq3A_231 = arith.cmpi eq, %iota3A, %eq3A_230 : vector<16xi32>
      %jit3A_232 = arith.constant 0.000000e+00 : f32
      %broadcast_in_dim3A_233 = vector.broadcast %jit3A_232 : f32 to vector<16xf32>
      %select_n3A_234 = arith.select %eq3A_231, %get3A_228, %broadcast_in_dim3A_233 : vector<16xi1>, vector<16xf32>
      %add3A_235 = arith.addf %add3A_222, %select_n3A_234 : vector<16xf32>
      %slice3A_236 = vector.extract_strided_slice %get3A_43 {offsets = [15], sizes = [1], strides = [1]} : vector<16xi32> to vector<1xi32>
      %squeeze3A_237 = vector.extract %slice3A_236[0] : i32 from vector<1xi32>
      %get3A_238 = arith.index_cast %squeeze3A_237 : i32 to index
      %get3A_239 = arith.index_cast %multiple_of3A : i32 to index
      %get3A_240 = tpu.vector_load %arg6[%get3A_238, %get3A_239] {strides = array<i32>} : memref<1000x128xf32, #tpu.memory_space<vmem>>, vector<1x16xf32>,
      %get3A_241 = vector.shape_cast %get3A_240 : vector<1x16xf32> to vector<16xf32>
      %eq3A_242 = arith.constant 15 : i32
      %eq3A_243 = vector.broadcast %eq3A_242 : i32 to vector<16xi32>
      %eq3A_244 = arith.cmpi eq, %iota3A, %eq3A_243 : vector<16xi32>
      %jit3A_245 = arith.constant 0.000000e+00 : f32
      %broadcast_in_dim3A_246 = vector.broadcast %jit3A_245 : f32 to vector<16xf32>
      %select_n3A_247 = arith.select %eq3A_244, %get3A_241, %broadcast_in_dim3A_246 : vector<16xi1>, vector<16xf32>
      %add3A_248 = arith.addf %add3A_235, %select_n3A_247 : vector<16xf32>
      scf.yield %add3A_248 : vector<16xf32>
    }
    %scan3A_16 = arith.constant 8 : i32
    %add3A_17 = arith.constant 128 : i32
    %add3A_18 = arith.addi %mul3A_2, %add3A_17 : i32
    %dma_start3A_19 = arith.constant 0 : i32
    %dma_start3A_20 = tpu.memref_slice %arg2[%dma_start3A_19, %add3A_18] : memref<1000x16384xf32, #tpu.memory_space<hbm>> -> memref<1000x128xf32, #tpu.memory_space<hbm>>
    %dma_start3A_21 = arith.constant 0 : i32
    %dma_start3A_22 = tpu.memref_slice %arg2[%dma_start3A_21, %add3A_18] : memref<1000x16384xf32, #tpu.memory_space<hbm>> -> memref<1000x128xf32, #tpu.memory_space<hbm>>
    tpu.enqueue_dma source(%dma_start3A_22 : memref<1000x128xf32, #tpu.memory_space<hbm>>) target(%arg6 : memref<1000x128xf32, #tpu.memory_space<vmem>>) target_semaphore(%arg8 : memref<!tpu.dma_semaphore, #tpu.memory_space<semaphore_mem>>)
    %dma_wait3A_23 = arith.constant 0 : i32
    %dma_wait3A_24 = tpu.memref_slice %arg2[%dma_wait3A_23, %add3A_18] : memref<1000x16384xf32, #tpu.memory_space<hbm>> -> memref<1000x128xf32, #tpu.memory_space<hbm>>
    %dma_wait3A_25 = arith.constant 0 : i32
    %dma_wait3A_26 = tpu.memref_slice %arg2[%dma_wait3A_25, %add3A_18] : memref<1000x16384xf32, #tpu.memory_space<hbm>> -> memref<1000x128xf32, #tpu.memory_space<hbm>>
    tpu.wait_dma2 semaphore(%arg8 : memref<!tpu.dma_semaphore, #tpu.memory_space<semaphore_mem>>) src(%dma_wait3A_26 : memref<1000x128xf32, #tpu.memory_space<hbm>>) dst(%arg6 : memref<1000x128xf32, #tpu.memory_space<vmem>>)
    %scan3A_27 = arith.constant 0 : i32
    %scan3A_28 = arith.constant 8 : i32
    %scan3A_29 = arith.addi %scan3A_27, %scan3A_28 : i32
    %scan3A_30 = arith.constant 1 : i32
    %scan3A_31 = scf.for %scan3A_36 = %scan3A_27 to %scan3A_29 step %scan3A_30 iter_args(%scan3A_37 = %scan3A_15) -> (vector<16xf32>)  : i32 {
      %mul3A_38 = arith.constant 16 : i32
      %mul3A_39 = arith.muli %scan3A_36, %mul3A_38 : i32
      %add3A_40 = arith.constant 128 : i32
      %add3A_41 = arith.addi %add3A_40, %mul3A_39 : i32
      %get3A = arith.index_cast %add3A_41 : i32 to index
      %get3A_42 = tpu.vector_load %arg5[%get3A] {strides = array<i32>} : memref<256xi32, #tpu.memory_space<vmem>>, vector<16xi32>,
      %get3A_43 = vector.shape_cast %get3A_42 : vector<16xi32> to vector<16xi32>
      %mul3A_44 = arith.constant 16 : i32
      %mul3A_45 = arith.muli %scan3A_36, %mul3A_44 : i32
      %multiple_of3A = tpu.assume_multiple %mul3A_45, 16 : i32
      %slice3A = vector.extract_strided_slice %get3A_43 {offsets = [0], sizes = [1], strides = [1]} : vector<16xi32> to vector<1xi32>
      %squeeze3A = vector.extract %slice3A[0] : i32 from vector<1xi32>
      %get3A_46 = arith.index_cast %squeeze3A : i32 to index
      %get3A_47 = arith.index_cast %multiple_of3A : i32 to index
      %get3A_48 = tpu.vector_load %arg6[%get3A_46, %get3A_47] {strides = array<i32>} : memref<1000x128xf32, #tpu.memory_space<vmem>>, vector<1x16xf32>,
      %get3A_49 = vector.shape_cast %get3A_48 : vector<1x16xf32> to vector<16xf32>
      %eq3A = arith.constant 0 : i32
      %eq3A_50 = vector.broadcast %eq3A : i32 to vector<16xi32>
      %eq3A_51 = arith.cmpi eq, %iota3A, %eq3A_50 : vector<16xi32>
      %jit3A = arith.constant 0.000000e+00 : f32
      %broadcast_in_dim3A_52 = vector.broadcast %jit3A : f32 to vector<16xf32>
      %select_n3A = arith.select %eq3A_51, %get3A_49, %broadcast_in_dim3A_52 : vector<16xi1>, vector<16xf32>
      %add3A_53 = arith.addf %scan3A_37, %select_n3A : vector<16xf32>
      %slice3A_54 = vector.extract_strided_slice %get3A_43 {offsets = [1], sizes = [1], strides = [1]} : vector<16xi32> to vector<1xi32>
      %squeeze3A_55 = vector.extract %slice3A_54[0] : i32 from vector<1xi32>
      %get3A_56 = arith.index_cast %squeeze3A_55 : i32 to index
      %get3A_57 = arith.index_cast %multiple_of3A : i32 to index
      %get3A_58 = tpu.vector_load %arg6[%get3A_56, %get3A_57] {strides = array<i32>} : memref<1000x128xf32, #tpu.memory_space<vmem>>, vector<1x16xf32>,
      %get3A_59 = vector.shape_cast %get3A_58 : vector<1x16xf32> to vector<16xf32>
      %eq3A_60 = arith.constant 1 : i32
      %eq3A_61 = vector.broadcast %eq3A_60 : i32 to vector<16xi32>
      %eq3A_62 = arith.cmpi eq, %iota3A, %eq3A_61 : vector<16xi32>
      %jit3A_63 = arith.constant 0.000000e+00 : f32
      %broadcast_in_dim3A_64 = vector.broadcast %jit3A_63 : f32 to vector<16xf32>
      %select_n3A_65 = arith.select %eq3A_62, %get3A_59, %broadcast_in_dim3A_64 : vector<16xi1>, vector<16xf32>
      %add3A_66 = arith.addf %add3A_53, %select_n3A_65 : vector<16xf32>
      %slice3A_67 = vector.extract_strided_slice %get3A_43 {offsets = [2], sizes = [1], strides = [1]} : vector<16xi32> to vector<1xi32>
      %squeeze3A_68 = vector.extract %slice3A_67[0] : i32 from vector<1xi32>
      %get3A_69 = arith.index_cast %squeeze3A_68 : i32 to index
      %get3A_70 = arith.index_cast %multiple_of3A : i32 to index
      %get3A_71 = tpu.vector_load %arg6[%get3A_69, %get3A_70] {strides = array<i32>} : memref<1000x128xf32, #tpu.memory_space<vmem>>, vector<1x16xf32>,
      %get3A_72 = vector.shape_cast %get3A_71 : vector<1x16xf32> to vector<16xf32>
      %eq3A_73 = arith.constant 2 : i32
      %eq3A_74 = vector.broadcast %eq3A_73 : i32 to vector<16xi32>
      %eq3A_75 = arith.cmpi eq, %iota3A, %eq3A_74 : vector<16xi32>
      %jit3A_76 = arith.constant 0.000000e+00 : f32
      %broadcast_in_dim3A_77 = vector.broadcast %jit3A_76 : f32 to vector<16xf32>
      %select_n3A_78 = arith.select %eq3A_75, %get3A_72, %broadcast_in_dim3A_77 : vector<16xi1>, vector<16xf32>
      %add3A_79 = arith.addf %add3A_66, %select_n3A_78 : vector<16xf32>
      %slice3A_80 = vector.extract_strided_slice %get3A_43 {offsets = [3], sizes = [1], strides = [1]} : vector<16xi32> to vector<1xi32>
      %squeeze3A_81 = vector.extract %slice3A_80[0] : i32 from vector<1xi32>
      %get3A_82 = arith.index_cast %squeeze3A_81 : i32 to index
      %get3A_83 = arith.index_cast %multiple_of3A : i32 to index
      %get3A_84 = tpu.vector_load %arg6[%get3A_82, %get3A_83] {strides = array<i32>} : memref<1000x128xf32, #tpu.memory_space<vmem>>, vector<1x16xf32>,
      %get3A_85 = vector.shape_cast %get3A_84 : vector<1x16xf32> to vector<16xf32>
      %eq3A_86 = arith.constant 3 : i32
      %eq3A_87 = vector.broadcast %eq3A_86 : i32 to vector<16xi32>
      %eq3A_88 = arith.cmpi eq, %iota3A, %eq3A_87 : vector<16xi32>
      %jit3A_89 = arith.constant 0.000000e+00 : f32
      %broadcast_in_dim3A_90 = vector.broadcast %jit3A_89 : f32 to vector<16xf32>
      %select_n3A_91 = arith.select %eq3A_88, %get3A_85, %broadcast_in_dim3A_90 : vector<16xi1>, vector<16xf32>
      %add3A_92 = arith.addf %add3A_79, %select_n3A_91 : vector<16xf32>
      %slice3A_93 = vector.extract_strided_slice %get3A_43 {offsets = [4], sizes = [1], strides = [1]} : vector<16xi32> to vector<1xi32>
      %squeeze3A_94 = vector.extract %slice3A_93[0] : i32 from vector<1xi32>
      %get3A_95 = arith.index_cast %squeeze3A_94 : i32 to index
      %get3A_96 = arith.index_cast %multiple_of3A : i32 to index
      %get3A_97 = tpu.vector_load %arg6[%get3A_95, %get3A_96] {strides = array<i32>} : memref<1000x128xf32, #tpu.memory_space<vmem>>, vector<1x16xf32>,
      %get3A_98 = vector.shape_cast %get3A_97 : vector<1x16xf32> to vector<16xf32>
      %eq3A_99 = arith.constant 4 : i32
      %eq3A_100 = vector.broadcast %eq3A_99 : i32 to vector<16xi32>
      %eq3A_101 = arith.cmpi eq, %iota3A, %eq3A_100 : vector<16xi32>
      %jit3A_102 = arith.constant 0.000000e+00 : f32
      %broadcast_in_dim3A_103 = vector.broadcast %jit3A_102 : f32 to vector<16xf32>
      %select_n3A_104 = arith.select %eq3A_101, %get3A_98, %broadcast_in_dim3A_103 : vector<16xi1>, vector<16xf32>
      %add3A_105 = arith.addf %add3A_92, %select_n3A_104 : vector<16xf32>
      %slice3A_106 = vector.extract_strided_slice %get3A_43 {offsets = [5], sizes = [1], strides = [1]} : vector<16xi32> to vector<1xi32>
      %squeeze3A_107 = vector.extract %slice3A_106[0] : i32 from vector<1xi32>
      %get3A_108 = arith.index_cast %squeeze3A_107 : i32 to index
      %get3A_109 = arith.index_cast %multiple_of3A : i32 to index
      %get3A_110 = tpu.vector_load %arg6[%get3A_108, %get3A_109] {strides = array<i32>} : memref<1000x128xf32, #tpu.memory_space<vmem>>, vector<1x16xf32>,
      %get3A_111 = vector.shape_cast %get3A_110 : vector<1x16xf32> to vector<16xf32>
      %eq3A_112 = arith.constant 5 : i32
      %eq3A_113 = vector.broadcast %eq3A_112 : i32 to vector<16xi32>
      %eq3A_114 = arith.cmpi eq, %iota3A, %eq3A_113 : vector<16xi32>
      %jit3A_115 = arith.constant 0.000000e+00 : f32
      %broadcast_in_dim3A_116 = vector.broadcast %jit3A_115 : f32 to vector<16xf32>
      %select_n3A_117 = arith.select %eq3A_114, %get3A_111, %broadcast_in_dim3A_116 : vector<16xi1>, vector<16xf32>
      %add3A_118 = arith.addf %add3A_105, %select_n3A_117 : vector<16xf32>
      %slice3A_119 = vector.extract_strided_slice %get3A_43 {offsets = [6], sizes = [1], strides = [1]} : vector<16xi32> to vector<1xi32>
      %squeeze3A_120 = vector.extract %slice3A_119[0] : i32 from vector<1xi32>
      %get3A_121 = arith.index_cast %squeeze3A_120 : i32 to index
      %get3A_122 = arith.index_cast %multiple_of3A : i32 to index
      %get3A_123 = tpu.vector_load %arg6[%get3A_121, %get3A_122] {strides = array<i32>} : memref<1000x128xf32, #tpu.memory_space<vmem>>, vector<1x16xf32>,
      %get3A_124 = vector.shape_cast %get3A_123 : vector<1x16xf32> to vector<16xf32>
      %eq3A_125 = arith.constant 6 : i32
      %eq3A_126 = vector.broadcast %eq3A_125 : i32 to vector<16xi32>
      %eq3A_127 = arith.cmpi eq, %iota3A, %eq3A_126 : vector<16xi32>
      %jit3A_128 = arith.constant 0.000000e+00 : f32
      %broadcast_in_dim3A_129 = vector.broadcast %jit3A_128 : f32 to vector<16xf32>
      %select_n3A_130 = arith.select %eq3A_127, %get3A_124, %broadcast_in_dim3A_129 : vector<16xi1>, vector<16xf32>
      %add3A_131 = arith.addf %add3A_118, %select_n3A_130 : vector<16xf32>
      %slice3A_132 = vector.extract_strided_slice %get3A_43 {offsets = [7], sizes = [1], strides = [1]} : vector<16xi32> to vector<1xi32>
      %squeeze3A_133 = vector.extract %slice3A_132[0] : i32 from vector<1xi32>
      %get3A_134 = arith.index_cast %squeeze3A_133 : i32 to index
      %get3A_135 = arith.index_cast %multiple_of3A : i32 to index
      %get3A_136 = tpu.vector_load %arg6[%get3A_134, %get3A_135] {strides = array<i32>} : memref<1000x128xf32, #tpu.memory_space<vmem>>, vector<1x16xf32>,
      %get3A_137 = vector.shape_cast %get3A_136 : vector<1x16xf32> to vector<16xf32>
      %eq3A_138 = arith.constant 7 : i32
      %eq3A_139 = vector.broadcast %eq3A_138 : i32 to vector<16xi32>
      %eq3A_140 = arith.cmpi eq, %iota3A, %eq3A_139 : vector<16xi32>
      %jit3A_141 = arith.constant 0.000000e+00 : f32
      %broadcast_in_dim3A_142 = vector.broadcast %jit3A_141 : f32 to vector<16xf32>
      %select_n3A_143 = arith.select %eq3A_140, %get3A_137, %broadcast_in_dim3A_142 : vector<16xi1>, vector<16xf32>
      %add3A_144 = arith.addf %add3A_131, %select_n3A_143 : vector<16xf32>
      %slice3A_145 = vector.extract_strided_slice %get3A_43 {offsets = [8], sizes = [1], strides = [1]} : vector<16xi32> to vector<1xi32>
      %squeeze3A_146 = vector.extract %slice3A_145[0] : i32 from vector<1xi32>
      %get3A_147 = arith.index_cast %squeeze3A_146 : i32 to index
      %get3A_148 = arith.index_cast %multiple_of3A : i32 to index
      %get3A_149 = tpu.vector_load %arg6[%get3A_147, %get3A_148] {strides = array<i32>} : memref<1000x128xf32, #tpu.memory_space<vmem>>, vector<1x16xf32>,
      %get3A_150 = vector.shape_cast %get3A_149 : vector<1x16xf32> to vector<16xf32>
      %eq3A_151 = arith.constant 8 : i32
      %eq3A_152 = vector.broadcast %eq3A_151 : i32 to vector<16xi32>
      %eq3A_153 = arith.cmpi eq, %iota3A, %eq3A_152 : vector<16xi32>
      %jit3A_154 = arith.constant 0.000000e+00 : f32
      %broadcast_in_dim3A_155 = vector.broadcast %jit3A_154 : f32 to vector<16xf32>
      %select_n3A_156 = arith.select %eq3A_153, %get3A_150, %broadcast_in_dim3A_155 : vector<16xi1>, vector<16xf32>
      %add3A_157 = arith.addf %add3A_144, %select_n3A_156 : vector<16xf32>
      %slice3A_158 = vector.extract_strided_slice %get3A_43 {offsets = [9], sizes = [1], strides = [1]} : vector<16xi32> to vector<1xi32>
      %squeeze3A_159 = vector.extract %slice3A_158[0] : i32 from vector<1xi32>
      %get3A_160 = arith.index_cast %squeeze3A_159 : i32 to index
      %get3A_161 = arith.index_cast %multiple_of3A : i32 to index
      %get3A_162 = tpu.vector_load %arg6[%get3A_160, %get3A_161] {strides = array<i32>} : memref<1000x128xf32, #tpu.memory_space<vmem>>, vector<1x16xf32>,
      %get3A_163 = vector.shape_cast %get3A_162 : vector<1x16xf32> to vector<16xf32>
      %eq3A_164 = arith.constant 9 : i32
      %eq3A_165 = vector.broadcast %eq3A_164 : i32 to vector<16xi32>
      %eq3A_166 = arith.cmpi eq, %iota3A, %eq3A_165 : vector<16xi32>
      %jit3A_167 = arith.constant 0.000000e+00 : f32
      %broadcast_in_dim3A_168 = vector.broadcast %jit3A_167 : f32 to vector<16xf32>
      %select_n3A_169 = arith.select %eq3A_166, %get3A_163, %broadcast_in_dim3A_168 : vector<16xi1>, vector<16xf32>
      %add3A_170 = arith.addf %add3A_157, %select_n3A_169 : vector<16xf32>
      %slice3A_171 = vector.extract_strided_slice %get3A_43 {offsets = [10], sizes = [1], strides = [1]} : vector<16xi32> to vector<1xi32>
      %squeeze3A_172 = vector.extract %slice3A_171[0] : i32 from vector<1xi32>
      %get3A_173 = arith.index_cast %squeeze3A_172 : i32 to index
      %get3A_174 = arith.index_cast %multiple_of3A : i32 to index
      %get3A_175 = tpu.vector_load %arg6[%get3A_173, %get3A_174] {strides = array<i32>} : memref<1000x128xf32, #tpu.memory_space<vmem>>, vector<1x16xf32>,
      %get3A_176 = vector.shape_cast %get3A_175 : vector<1x16xf32> to vector<16xf32>
      %eq3A_177 = arith.constant 10 : i32
      %eq3A_178 = vector.broadcast %eq3A_177 : i32 to vector<16xi32>
      %eq3A_179 = arith.cmpi eq, %iota3A, %eq3A_178 : vector<16xi32>
      %jit3A_180 = arith.constant 0.000000e+00 : f32
      %broadcast_in_dim3A_181 = vector.broadcast %jit3A_180 : f32 to vector<16xf32>
      %select_n3A_182 = arith.select %eq3A_179, %get3A_176, %broadcast_in_dim3A_181 : vector<16xi1>, vector<16xf32>
      %add3A_183 = arith.addf %add3A_170, %select_n3A_182 : vector<16xf32>
      %slice3A_184 = vector.extract_strided_slice %get3A_43 {offsets = [11], sizes = [1], strides = [1]} : vector<16xi32> to vector<1xi32>
      %squeeze3A_185 = vector.extract %slice3A_184[0] : i32 from vector<1xi32>
      %get3A_186 = arith.index_cast %squeeze3A_185 : i32 to index
      %get3A_187 = arith.index_cast %multiple_of3A : i32 to index
      %get3A_188 = tpu.vector_load %arg6[%get3A_186, %get3A_187] {strides = array<i32>} : memref<1000x128xf32, #tpu.memory_space<vmem>>, vector<1x16xf32>,
      %get3A_189 = vector.shape_cast %get3A_188 : vector<1x16xf32> to vector<16xf32>
      %eq3A_190 = arith.constant 11 : i32
      %eq3A_191 = vector.broadcast %eq3A_190 : i32 to vector<16xi32>
      %eq3A_192 = arith.cmpi eq, %iota3A, %eq3A_191 : vector<16xi32>
      %jit3A_193 = arith.constant 0.000000e+00 : f32
      %broadcast_in_dim3A_194 = vector.broadcast %jit3A_193 : f32 to vector<16xf32>
      %select_n3A_195 = arith.select %eq3A_192, %get3A_189, %broadcast_in_dim3A_194 : vector<16xi1>, vector<16xf32>
      %add3A_196 = arith.addf %add3A_183, %select_n3A_195 : vector<16xf32>
      %slice3A_197 = vector.extract_strided_slice %get3A_43 {offsets = [12], sizes = [1], strides = [1]} : vector<16xi32> to vector<1xi32>
      %squeeze3A_198 = vector.extract %slice3A_197[0] : i32 from vector<1xi32>
      %get3A_199 = arith.index_cast %squeeze3A_198 : i32 to index
      %get3A_200 = arith.index_cast %multiple_of3A : i32 to index
      %get3A_201 = tpu.vector_load %arg6[%get3A_199, %get3A_200] {strides = array<i32>} : memref<1000x128xf32, #tpu.memory_space<vmem>>, vector<1x16xf32>,
      %get3A_202 = vector.shape_cast %get3A_201 : vector<1x16xf32> to vector<16xf32>
      %eq3A_203 = arith.constant 12 : i32
      %eq3A_204 = vector.broadcast %eq3A_203 : i32 to vector<16xi32>
      %eq3A_205 = arith.cmpi eq, %iota3A, %eq3A_204 : vector<16xi32>
      %jit3A_206 = arith.constant 0.000000e+00 : f32
      %broadcast_in_dim3A_207 = vector.broadcast %jit3A_206 : f32 to vector<16xf32>
      %select_n3A_208 = arith.select %eq3A_205, %get3A_202, %broadcast_in_dim3A_207 : vector<16xi1>, vector<16xf32>
      %add3A_209 = arith.addf %add3A_196, %select_n3A_208 : vector<16xf32>
      %slice3A_210 = vector.extract_strided_slice %get3A_43 {offsets = [13], sizes = [1], strides = [1]} : vector<16xi32> to vector<1xi32>
      %squeeze3A_211 = vector.extract %slice3A_210[0] : i32 from vector<1xi32>
      %get3A_212 = arith.index_cast %squeeze3A_211 : i32 to index
      %get3A_213 = arith.index_cast %multiple_of3A : i32 to index
      %get3A_214 = tpu.vector_load %arg6[%get3A_212, %get3A_213] {strides = array<i32>} : memref<1000x128xf32, #tpu.memory_space<vmem>>, vector<1x16xf32>,
      %get3A_215 = vector.shape_cast %get3A_214 : vector<1x16xf32> to vector<16xf32>
      %eq3A_216 = arith.constant 13 : i32
      %eq3A_217 = vector.broadcast %eq3A_216 : i32 to vector<16xi32>
      %eq3A_218 = arith.cmpi eq, %iota3A, %eq3A_217 : vector<16xi32>
      %jit3A_219 = arith.constant 0.000000e+00 : f32
      %broadcast_in_dim3A_220 = vector.broadcast %jit3A_219 : f32 to vector<16xf32>
      %select_n3A_221 = arith.select %eq3A_218, %get3A_215, %broadcast_in_dim3A_220 : vector<16xi1>, vector<16xf32>
      %add3A_222 = arith.addf %add3A_209, %select_n3A_221 : vector<16xf32>
      %slice3A_223 = vector.extract_strided_slice %get3A_43 {offsets = [14], sizes = [1], strides = [1]} : vector<16xi32> to vector<1xi32>
      %squeeze3A_224 = vector.extract %slice3A_223[0] : i32 from vector<1xi32>
      %get3A_225 = arith.index_cast %squeeze3A_224 : i32 to index
      %get3A_226 = arith.index_cast %multiple_of3A : i32 to index
      %get3A_227 = tpu.vector_load %arg6[%get3A_225, %get3A_226] {strides = array<i32>} : memref<1000x128xf32, #tpu.memory_space<vmem>>, vector<1x16xf32>,
      %get3A_228 = vector.shape_cast %get3A_227 : vector<1x16xf32> to vector<16xf32>
      %eq3A_229 = arith.constant 14 : i32
      %eq3A_230 = vector.broadcast %eq3A_229 : i32 to vector<16xi32>
      %eq3A_231 = arith.cmpi eq, %iota3A, %eq3A_230 : vector<16xi32>
      %jit3A_232 = arith.constant 0.000000e+00 : f32
      %broadcast_in_dim3A_233 = vector.broadcast %jit3A_232 : f32 to vector<16xf32>
      %select_n3A_234 = arith.select %eq3A_231, %get3A_228, %broadcast_in_dim3A_233 : vector<16xi1>, vector<16xf32>
      %add3A_235 = arith.addf %add3A_222, %select_n3A_234 : vector<16xf32>
      %slice3A_236 = vector.extract_strided_slice %get3A_43 {offsets = [15], sizes = [1], strides = [1]} : vector<16xi32> to vector<1xi32>
      %squeeze3A_237 = vector.extract %slice3A_236[0] : i32 from vector<1xi32>
      %get3A_238 = arith.index_cast %squeeze3A_237 : i32 to index
      %get3A_239 = arith.index_cast %multiple_of3A : i32 to index
      %get3A_240 = tpu.vector_load %arg6[%get3A_238, %get3A_239] {strides = array<i32>} : memref<1000x128xf32, #tpu.memory_space<vmem>>, vector<1x16xf32>,
      %get3A_241 = vector.shape_cast %get3A_240 : vector<1x16xf32> to vector<16xf32>
      %eq3A_242 = arith.constant 15 : i32
      %eq3A_243 = vector.broadcast %eq3A_242 : i32 to vector<16xi32>
      %eq3A_244 = arith.cmpi eq, %iota3A, %eq3A_243 : vector<16xi32>
      %jit3A_245 = arith.constant 0.000000e+00 : f32
      %broadcast_in_dim3A_246 = vector.broadcast %jit3A_245 : f32 to vector<16xf32>
      %select_n3A_247 = arith.select %eq3A_244, %get3A_241, %broadcast_in_dim3A_246 : vector<16xi1>, vector<16xf32>
      %add3A_248 = arith.addf %add3A_235, %select_n3A_247 : vector<16xf32>
      scf.yield %add3A_248 : vector<16xf32>
    }
    %scan3A_32 = arith.constant 8 : i32
    %swap3A = arith.constant 0 : index
    %swap3A_33 = tpu.vector_load %arg7[%swap3A] {strides = array<i32>} : memref<16xf32, #tpu.memory_space<vmem>>, vector<16xf32>,
    %swap3A_34 = vector.shape_cast %swap3A_33 : vector<16xf32> to vector<16xf32>
    %swap3A_35 = vector.shape_cast %scan3A_31 : vector<16xf32> to vector<16xf32>
    tpu.vector_store %arg7[%swap3A], %swap3A_35 {strides = array<i32>} : memref<16xf32, #tpu.memory_space<vmem>>, vector<16xf32>,
    "tpu.region"() ({
      %run_scoped3A = tpu.sem_alloc : memref<!tpu.dma_semaphore, #tpu.memory_space<semaphore_mem>>
      %dma_start3A_36 = arith.constant 0 : i32
      %dma_start3A_37 = tpu.memref_slice %arg4[%add3A, %dma_start3A_36] : memref<32x16xf32, #tpu.memory_space<hbm>> -> memref<1x16xf32, #tpu.memory_space<hbm>>
      %dma_start3A_38 = tpu.memref_squeeze %dma_start3A_37 : memref<1x16xf32, #tpu.memory_space<hbm>> -> memref<16xf32, #tpu.memory_space<hbm>>
      %dma_start3A_39 = arith.constant 0 : i32
      %dma_start3A_40 = tpu.memref_slice %arg4[%add3A, %dma_start3A_39] : memref<32x16xf32, #tpu.memory_space<hbm>> -> memref<1x16xf32, #tpu.memory_space<hbm>>
      %dma_start3A_41 = tpu.memref_squeeze %dma_start3A_40 : memref<1x16xf32, #tpu.memory_space<hbm>> -> memref<16xf32, #tpu.memory_space<hbm>>
      tpu.enqueue_dma source(%arg7 : memref<16xf32, #tpu.memory_space<vmem>>) target(%dma_start3A_41 : memref<16xf32, #tpu.memory_space<hbm>>) target_semaphore(%run_scoped3A : memref<!tpu.dma_semaphore, #tpu.memory_space<semaphore_mem>>)
      %dma_wait3A_42 = arith.constant 0 : i32
      %dma_wait3A_43 = tpu.memref_slice %arg4[%add3A, %dma_wait3A_42] : memref<32x16xf32, #tpu.memory_space<hbm>> -> memref<1x16xf32, #tpu.memory_space<hbm>>
      %dma_wait3A_44 = tpu.memref_squeeze %dma_wait3A_43 : memref<1x16xf32, #tpu.memory_space<hbm>> -> memref<16xf32, #tpu.memory_space<hbm>>
      %dma_wait3A_45 = arith.constant 0 : i32
      %dma_wait3A_46 = tpu.memref_slice %arg4[%add3A, %dma_wait3A_45] : memref<32x16xf32, #tpu.memory_space<hbm>> -> memref<1x16xf32, #tpu.memory_space<hbm>>
      %dma_wait3A_47 = tpu.memref_squeeze %dma_wait3A_46 : memref<1x16xf32, #tpu.memory_space<hbm>> -> memref<16xf32, #tpu.memory_space<hbm>>
      tpu.wait_dma2 semaphore(%run_scoped3A : memref<!tpu.dma_semaphore, #tpu.memory_space<semaphore_mem>>) src(%arg7 : memref<16xf32, #tpu.memory_space<vmem>>) dst(%dma_wait3A_47 : memref<16xf32, #tpu.memory_space<hbm>>)
      tpu.yield
    }) : () -> ()
    return
  }
}

module attributes {stable_mosaic.version = 14 : i64} {
  func.func @_tc_body(%arg0: i32, %arg1: memref<1000x1024xf32, #tpu.memory_space<vmem>>, %arg2: memref<1x1x1024xi32, #tpu.memory_space<vmem>>, %arg3: memref<1x1xf32, #tpu.memory_space<smem>>) attributes {dimension_semantics = [#tpu.dimension_semantics<arbitrary>], iteration_bounds = array<i64: 8>, scalar_prefetch = 0 : i64, scratch_operands = 0 : i64, tpu.core_type = #tpu.core_type<tc>, window_params = [{transform_indices = @transform_0, window_bounds = array<i64: 1000, 1024>}, {transform_indices = @transform_1, window_bounds = array<i64: 1, 1, 1024>}, {transform_indices = @transform_2, window_bounds = array<i64: 1, 1>}]} {
    %eq3A = arith.constant 0 : i32
    %eq3A_0 = arith.cmpi eq, %arg0, %eq3A : i32
    %convert_element_type3A = arith.extui %eq3A_0 : i1 to i32
    %cond3A = arith.constant 0 : i32
    %cond3A_1 = arith.cmpi ne, %convert_element_type3A, %cond3A : i32
    scf.if %cond3A_1 {
      %swap3A_21 = arith.constant 0.000000e+00 : f32
      %swap3A_22 = arith.constant 0 : index
      %swap3A_23 = arith.constant 0 : index
      %swap3A_24 = memref.load %arg3[%swap3A_22, %swap3A_23] : memref<1x1xf32, #tpu.memory_space<smem>>
      memref.store %swap3A_21, %arg3[%swap3A_22, %swap3A_23] : memref<1x1xf32, #tpu.memory_space<smem>>
    } else {
    }
    %get3A = arith.constant 0 : index
    %get3A_2 = arith.constant 0 : index
    %get3A_3 = arith.constant 0 : index
    %get3A_4 = vector.load %arg2[%get3A, %get3A_2, %get3A_3] : memref<1x1x1024xi32, #tpu.memory_space<vmem>>, vector<1x1x1024xi32>
    %get3A_5 = vector.shape_cast %get3A_4 : vector<1x1x1024xi32> to vector<1024xi32>
    %iota3A = tpu.iota {dimensions = array<i32: 0>} : vector<1000x1024xi32>
    %broadcast_in_dim3A = vector.shape_cast %get3A_5 : vector<1024xi32> to vector<1x1024xi32>
    %eq3A_6 = vector.broadcast %broadcast_in_dim3A : vector<1x1024xi32> to vector<1000x1024xi32>
    %eq3A_7 = arith.cmpi eq, %iota3A, %eq3A_6 : vector<1000x1024xi32>
    %get3A_8 = arith.constant 0 : index
    %get3A_9 = arith.constant 0 : index
    %get3A_10 = vector.load %arg1[%get3A_8, %get3A_9] : memref<1000x1024xf32, #tpu.memory_space<vmem>>, vector<1000x1024xf32>
    %jit3A = arith.constant 0.000000e+00 : f32
    %broadcast_in_dim3A_11 = vector.broadcast %jit3A : f32 to vector<1000x1024xf32>
    %select_n3A = arith.select %eq3A_7, %get3A_10, %broadcast_in_dim3A_11 : vector<1000x1024xi1>, vector<1000x1024xf32>
    %get3A_12 = arith.constant 0 : index
    %get3A_13 = arith.constant 0 : index
    %get3A_14 = memref.load %arg3[%get3A_12, %get3A_13] : memref<1x1xf32, #tpu.memory_space<smem>>
    %reduce_sum3A = vector.shape_cast %select_n3A : vector<1000x1024xf32> to vector<1x1000x1024xf32>
    %reduce_sum3A_15 = arith.constant dense<0.000000e+00> : vector<1xf32>
    %reduce_sum3A_16 = vector.multi_reduction <add>, %reduce_sum3A, %reduce_sum3A_15 [1, 2] : vector<1x1000x1024xf32> to vector<1xf32>
    %reduce_sum3A_17 = vector.shape_cast %reduce_sum3A_16 : vector<1xf32> to vector<1x1x1xf32>
    %reduce_sum3A_18 = vector.extract %reduce_sum3A_17[0, 0, 0] : f32 from vector<1x1x1xf32>
    %add3A = arith.addf %get3A_14, %reduce_sum3A_18 : f32
    %swap3A = arith.constant 0 : index
    %swap3A_19 = arith.constant 0 : index
    %swap3A_20 = memref.load %arg3[%swap3A, %swap3A_19] : memref<1x1xf32, #tpu.memory_space<smem>>
    memref.store %add3A, %arg3[%swap3A, %swap3A_19] : memref<1x1xf32, #tpu.memory_space<smem>>
    return
  }
  func.func @transform_0(%arg0: i32) -> (i32, i32) {
    %add3A = arith.constant 8 : i32
    %add3A_0 = arith.addi %add3A, %arg0 : i32
    %c0_i32 = arith.constant 0 : i32
    %c0_i32_1 = arith.constant 0 : i32
    return %c0_i32, %add3A_0 : i32, i32
  }
  func.func @transform_1(%arg0: i32) -> (i32, i32, i32) {
    %add3A = arith.constant 8 : i32
    %add3A_0 = arith.addi %add3A, %arg0 : i32
    %c0_i32 = arith.constant 0 : i32
    %c0_i32_1 = arith.constant 0 : i32
    %c0_i32_2 = arith.constant 0 : i32
    return %add3A_0, %c0_i32, %c0_i32_1 : i32, i32, i32
  }
  func.func @transform_2(%arg0: i32) -> (i32, i32) {
    %c0_i32 = arith.constant 0 : i32
    %c0_i32_0 = arith.constant 0 : i32
    %c0_i32_1 = arith.constant 0 : i32
    return %c0_i32, %c0_i32_0 : i32, i32
  }
}

</mosaic_0001>

<sc_bundles>
// kernel: kernel.4.cloned.1.call-start
scs
__scs_entry_jumppad:
0x0: {  	(pc) =	sbr.rel $0x88, $3  }
0x1: {  	(tag) =	ssettag $0x0;
	lr =	simm.s32 $0x1  }
0x2: {  	[smem:$0x3F9F] =	sst lr;
	_ =	strace $0xD0000000  }
0x3: {  	_ = 	snop  }
0x4: {  	_ = 	snop  }
0x5: {  	_ = 	snop  }
0x6: {  	_ = 	snop  }
0x7: {  	_ = 	snop  }
__scs_overlays_trampoline_lowered:
0x8: {  	[smem:$0x3FAE] =	sst s0  }
0x9: {  	[smem:$0x3FAF] =	sst s1  }
0xa: {  	[smem:$0x3FB0] =	sst s2  }
0xb: {  	[smem:$0x3FB1] =	sst s3  }
0xc: {  	[smem:$0x3FB2] =	sst s4  }
0xd: {  	[smem:$0x3FB3] =	sst s5  }
0xe: {  	[smem:$0x3FB4] =	sst s6  }
0xf: {  	[smem:$0x3FB5] =	sst s7  }
0x10: {  	[smem:$0x3FB6] =	sst s8  }
0x11: {  	[smem:$0x3FB7] =	sst s9;
	s0 =	simm.s32 @!p0 $0x0  }
0x12: {  	s1 =	sld [smem:$0x3F9D];
	s0 =	simm.s32 @p0 $0x1  }
0x13: {  	[smem:$0x3FB8] =	sst s0;
	s0 =	simm.s32 @!p1 $0x0  }
0x14: {  	s2 =	sld [smem:$0x3F9C];
	s0 =	simm.s32 @p1 $0x1  }
0x15: {  	[smem:$0x3FB9] =	sst s0;
	s0 =	simm.s32 @!p2 $0x0  }
0x16: {  	s3 =	sld [smem:$0x3FDB];
	s0 =	simm.s32 @p2 $0x1  }
0x17: {  	s4 =	simm.s32 $0x1BF5;
	[smem:$0x3FBB] =	sst s0  }
0x18: {  	s0 =	sld [smem:$0x3F9E];
	_ =	swait.ge [sflag:s4], $0x0  }
0x19: {  	s7 =	sld [smem:$0x3F9F]  }
0x1a: {  	s8 =	sadd.s32 $0xFFFFE003, lr  }
0x1b: {  	s9 =	sadd.s32 $0xFFFFFEF7, lr;
	s5 =	simm.s32 $0xFFFFFFFF;
	p2 =	slt.u32 s8, $0xFFFFF086  }
0x1c: {  	p1 =	slt.u32 s9, $0xF7A;
	s5 =	simm.s32 @!p2 $0x0  }
0x1d: {  	s5 =	simm.s32 @p1 $0x1;
	p0 =	seq.s32 s7, s2  }
0x1e: {  	s7 =	smul.u32 @!p0 $0xF7A, s2;
	p2 =	seq.s32 @!p0 s5, $0x0  }
0x1f: {  	s9 =	smul.u32 $0xF7A, s1;
	s8 =	simm.s32 @!p0 $0x1BF5;
	p2 =	por !p2, p0  }
0x20: {  	[sflag:s8] =	ssyncset.s32 @!p0 $0xFFFFF086;
	s6 =	sadd.s32 @!p0 s3, s7;
	s7 =	simm.s32 @!p0 $0x108  }
0x21: {  	s3 =	sadd.s32 s3, s9;
	s6 =	sadd.s32 @!p0 $0x88, s6;
	s7 =	simm.s32 @p2 $0x1082  }
0x22: {  	[simem:s7], [sflag:s8] =	dma.local @!p0 [hbm:s6], $0xF7A  }
0x23: {  	s9 =	sor.u32 $0xD0000000, s2;
	s6 =	simm.s32 $0x108;
	_ =	swait.ge @!p0 [sflag:s8], $0x0  }
0x24: {  	s3 =	sadd.s32 $0x88, s3;
	s6 =	simm.s32 @!p1 $0x1082;
	[sflag:s4] =	ssyncset.s32 $0xFFFFF086  }
0x25: {  	[simem:s6], [sflag:s4] =	dma.local [hbm:s3], $0xF7A  }
0x26: {  	[smem:$0x3F9F] =	sst s1;
	(tag) =	ssettag s2;
	_ =	strace s9  }
0x27: {  	s1 =	sld [smem:$0x3FAF]  }
0x28: {  	s2 =	sld [smem:$0x3FB0]  }
0x29: {  	s4 =	sld [smem:$0x3FB2]  }
0x2a: {  	p0 =	seq.s32 s5, $0x0;
	s5 =	sld [smem:$0x3FB3]  }
0x2b: {  	s6 =	sld [smem:$0x3FB4]  }
0x2c: {  	s7 =	sld [smem:$0x3FB5]  }
0x2d: {  	s3 =	simm.s32 $0x108;
	s8 =	sld [smem:$0x3FB6]  }
0x2e: {  	s3 =	simm.s32 @!p0 $0x1082;
	s9 =	sld [smem:$0x3FB7]  }
0x2f: {  	lr =	sadd.s32 s0, s3;
	s0 =	sld [smem:$0x3FAE]  }
0x30: {  	s3 =	sld [smem:$0x3FB1]  }
0x31: {  	[smem:$0x3FBA] =	sst s10  }
0x32: {  	s10 =	sld [smem:$0x3FB8];
	_ =	sdelay $0x3  }
0x33: {  	p0 =	seq.s32 s10, $0x1;
	s10 =	sld [smem:$0x3FBA];
	_ =	sdelay $0x3  }
0x34: {  	[smem:$0x3FBA] =	sst s10  }
0x35: {  	s10 =	sld [smem:$0x3FB9];
	_ =	sdelay $0x3  }
0x36: {  	p1 =	seq.s32 s10, $0x1;
	s10 =	sld [smem:$0x3FBA];
	_ =	sdelay $0x3  }
0x37: {  	[smem:$0x3FBA] =	sst s10  }
0x38: {  	s10 =	sld [smem:$0x3FBB]  }
0x39: {  	_ = 	snop;
	(pc) =	sbr.ind lr, $3  }
0x3a: {  	_ = 	snop  }
0x3b: {  	_ = 	snop  }
0x3c: {  	p2 =	seq.s32 s10, $0x1;
	s10 =	sld [smem:$0x3FBA]  }
0x3d: {  	_ =	shalt  }
0x3e: {  	_ =	shalt  }
0x3f: {  	_ =	shalt  }
0x40: {  	_ =	shalt  }
0x41: {  	_ =	shalt  }
0x42: {  	_ =	shalt  }
0x43: {  	_ =	shalt  }
0x44: {  	_ =	shalt  }
0x45: {  	_ =	shalt  }
0x46: {  	_ =	shalt  }
0x47: {  	_ =	shalt  }
0x48: {  	_ =	shalt  }
0x49: {  	_ =	shalt  }
0x4a: {  	_ =	shalt  }
0x4b: {  	_ =	shalt  }
0x4c: {  	_ =	shalt  }
0x4d: {  	_ =	shalt  }
0x4e: {  	_ =	shalt  }
0x4f: {  	_ =	shalt  }
0x50: {  	_ =	shalt  }
0x51: {  	_ =	shalt  }
0x52: {  	_ =	shalt  }
0x53: {  	_ =	shalt  }
0x54: {  	_ =	shalt  }
0x55: {  	_ =	shalt  }
0x56: {  	_ =	shalt  }
0x57: {  	_ =	shalt  }
0x58: {  	_ =	shalt  }
0x59: {  	_ =	shalt  }
0x5a: {  	_ =	shalt  }
0x5b: {  	_ =	shalt  }
0x5c: {  	_ =	shalt  }
0x5d: {  	_ =	shalt  }
0x5e: {  	_ =	shalt  }
0x5f: {  	_ =	shalt  }
0x60: {  	_ =	shalt  }
0x61: {  	_ =	shalt  }
0x62: {  	_ =	shalt  }
0x63: {  	_ =	shalt  }
0x64: {  	_ =	shalt  }
0x65: {  	_ =	shalt  }
0x66: {  	_ =	shalt  }
0x67: {  	_ =	shalt  }
0x68: {  	_ =	shalt  }
0x69: {  	_ =	shalt  }
0x6a: {  	_ =	shalt  }
0x6b: {  	_ =	shalt  }
0x6c: {  	_ =	shalt  }
0x6d: {  	_ =	shalt  }
0x6e: {  	_ =	shalt  }
0x6f: {  	_ =	shalt  }
0x70: {  	_ =	shalt  }
0x71: {  	_ =	shalt  }
0x72: {  	_ =	shalt  }
0x73: {  	_ =	shalt  }
0x74: {  	_ =	shalt  }
0x75: {  	_ =	shalt  }
0x76: {  	_ =	shalt  }
0x77: {  	_ =	shalt  }
0x78: {  	_ =	shalt  }
0x79: {  	_ =	shalt  }
0x7a: {  	_ =	shalt  }
0x7b: {  	_ =	shalt  }
0x7c: {  	_ =	shalt  }
0x7d: {  	_ =	shalt  }
0x7e: {  	_ =	shalt  }
0x7f: {  	_ =	shalt  }
0x80: {  	_ =	shalt  }
0x81: {  	_ =	shalt  }
0x82: {  	_ =	shalt  }
0x83: {  	_ =	shalt  }
0x84: {  	_ =	shalt  }
0x85: {  	_ =	shalt  }
0x86: {  	_ =	shalt  }
0x87: {  	_ =	shalt  }
.Lfunc_end0:
.L_simem_size_0:
called_computation_lowered:
.L_overlay_start_0:
0x88: {  	s2 =	sld [smem:$0x3FD9]  }
0x89: {  	s3 =	sld [smem:$0x3FFE];
	_ =	sdelay $0x1  }
0x8a: {  	s1 =	srdreg.scid  }
0x8b: {  	s0 =	sand.u32 $0x1, s1  }
0x8c: {  	s17 =	sshll.u32 s0, $0xA;
	s2 =	sadd.s32 s3, s2  }
0x8d: {  	s2 =	sadd.s32 s2, s17  }
0x8e: {  	[smem:$0x3FC6] =	sst s2  }
0x8f: {  	_ = 	snop  }
0x90: {  	s2 =	sld [smem:$0x3FC9]  }
0x91: {  	s18 =	sld [smem:$0x3FC8];
	(tm) =	ssettm $0x1  }
0x92: {  	s4 =	sld [smem:$0x3FFB];
	_ =	sdelay $0x3  }
0x93: {  	_ =	strace s4  }
0x94: {  	s4 =	sld [smem:$0x3FFC];
	_ =	sdelay $0x3  }
0x95: {  	_ =	strace s4  }
0x96: {  	s4 =	sld [smem:$0x3FFD];
	_ =	sdelay $0x3  }
0x97: {  	_ =	strace s4  }
0x98: {  	_ =	strace $0x8FFFFFFF  }
0x99: {  	s19 =	sld [smem:$0x3FDB];
	_ =	sdelay $0x1  }
0x9a: {  	s5 =	simm.s32 $_scs_section_size  }
0x9b: {  	s6 =	simm.s32 $_size__tile_overlayer_lowered;
	s7 =	simm.s32 $_tile_overlayer_lowered  }
0x9c: {  	s22 =	simm.s32 $0x1BFF;
	s21 =	sshll.u32 s7, $0x1;
	s4 =	sadd.s32 s5, s19  }
0x9d: {  	s8 =	simm.s32 $0x0;
	s20 =	sshll.u32 s6, $0x1;
	s6 =	sadd.s32 s21, s4  }
0x9e: {  	[timem:s8], [sflag:s22] =	dma.local [hbm:s6], s20  }
0x9f: {  	_ =	swait.ge [sflag:s22], s20  }
0xa0: {  	s5 =	ssub.s32 $0x0, s20;
	[sflag:s22] =	ssyncset.done $0x0  }
0xa1: {  	[sflag:s22] =	ssyncadd.s32 s5;
	_ =	sdelay $0x1  }
0xa2: {  	s23 =	simm.s32 $0x1B8B  }
0xa3: {  	_ =	swait.ge [sflag:s23], $0x1  }
0xa4: {  	[sflag:s23] =	ssyncset.done $0x0  }
0xa5: {  	s25 =	simm.s32 $0x1B8E;
	s24 =	sld [smem:$0x3FFE];
	[sflag:s23] =	ssyncadd.s32 $0xFFFFFFFF  }
0xa6: {  	s26 =	simm.s32 $execute0_lowered;
	[smem:$0x3FD2] =	sst s25  }
0xa7: {  	s6 =	sshll.u32 s26, $0x1;
	_ =	strace $0x80000046;
	[dreg:$0x1] =	wrdreg $0xFFFFFFFF  }
0xa8: {  	s28 =	simm.s32 $_size_execute0_lowered;
	s4 =	sadd.s32 s4, s6;
	[dreg:$0x0] =	wrdreg $0x0  }
0xa9: {  	s6 =	sshll.u32 s28, $0x1;
	[dreg:$0x2] =	wrdreg s4  }
0xaa: {  	[dreg:$0x3] =	wrdreg s6  }
0xab: {  	[dreg:$0x4] =	wrdreg $0xC0  }
0xac: {  	_ =	task [dreg:s8], $0x5FFFF  }
0xad: {  	[dreg:$0x1] =	wrdreg $0xFFFFFFFF  }
0xae: {  	[dreg:$0x0] =	wrdreg $0x60  }
0xaf: {  	[dreg:$0x2] =	wrdreg s2  }
0xb0: {  	[dreg:$0x3] =	wrdreg s18  }
0xb1: {  	[dreg:$0x4] =	wrdreg s24  }
0xb2: {  	[dreg:$0x5] =	wrdreg $0x9  }
0xb3: {  	_ =	task.clear_ibuf [dreg:s8], $0x6FFFF;
	_ =	strace $0x90000046  }
0xb4: {  	s29 =	simm.s32 $0x9;
	_ =	strace $0x80000048  }
0xb5: {  	_ =	swait.ge [sflag:s29], $0x1  }
0xb6: {  	[sflag:s29] =	ssyncadd.s32 $0xFFFFFFFF  }
0xb7: {  	_ =	strace $0x90000048  }
0xb8: {  	_ =	sfence  }
0xb9: {  	s30 =	sld [smem:$0x0];
	_ =	sdelay $0x2  }
0xba: {  	s31 =	sshll.u32 s1, $0xD;
	s1 =	sshrl.u32 s1, $0x2  }
0xbb: {  	s3 =	sand.u32 $0x4000, s31;
	s1 =	sadd.s32 s1, s30  }
0xbc: {  	s0 =	sor.u32 s3, s0;
	s1 =	sshll.u32 s1, $0x11  }
0xbd: {  	s0 =	sor.u32 s1, s0  }
0xbe: {  	s0 =	sadd.s32 $0x8F2B, s0  }
0xbf: {  	[sflag:s0] =	ssyncadd.remote.s32 $0x1  }
0xc0: {  	_ =	sfence.sel $0xFFFF  }
0xc1: {  	[dreg:$0x0] =	wrdreg $0xFFFFFFFF;
	(pc) =	sbr.abs _section_cstart, $3  }
0xc2: {  	[dreg:$0x1] =	wrdreg $0xFFFFFFFF  }
0xc3: {  	_ =	task.clear_ibuf [dreg:s8], $0x2FFFF;
	_ =	strace $0x9FFFFFFF  }
0xc4: {  	(tm) =	ssettm $0x7FFFFFFF  }
0xc5: {  	_ =	shalt  }
tec
execute0_lowered:
.L_overlay_start_1:
0x0: {  	(tag) =	ssettag $0x1  }
0x1: {  	s3 =	rddreg [dreg:$0x0]  }
0x2: {  	s4 =	rddreg [dreg:$0x1]  }
0x3: {  	s5 =	rddreg [dreg:$0x2]  }
0x4: {  	s0 =	rddreg [dreg:$0x3]  }
0x5: {  	s6 =	srdreg.scid;
	s1 =	stileid.u32;
	s2 =	simm.s32 $0x0  }
0x6: {  	s10 =	simm.s32 $0x20000;
	s11 =	simm.s32 $0x100;
	s12 =	simm.s32 $0x1  }
0x7: {  	s13 =	simm.s32 $0x1F500;
	s6 =	sand.u32 $0x1, s6;
	s7 =	sshll.u32 s1, $0x1  }
0x8: {  	vm0 =	vmmov $0x1;
	s14 =	simm.s32 $0x0;
	[smem:$0x7FF] =	sst s2;
	s7 =	sor.u32 s6, s7  }
0x9: {  	vm1 =	vcmask $0x308;
	vm2 =	vcmask $0x70C;
	vm3 =	vcmask $0xB10;
	_ =	strace $0x80000047;
	s30 =	ssub.s32 $0x2, s6;
	s8 =	sshll.u32 s7, $0x4  }
0xa: {  	vm4 =	vcmask $0xF14;
	vm5 =	vcmask $0x1318;
	vm6 =	vcmask $0x171C;
	s31 =	sshll.u32 s7, $0x8;
	s9 =	sshrl.u32 s30, $0x1;
	s7 =	sshll.u32 s7, $0x5  }
0xb: {  	vm7 =	vcmask $0x1B20;
	vm8 =	vcmask $0x1F24;
	vm9 =	vcmask $0x2328;
	s8 =	sadd.s32 s8, s5;
	s3 =	sadd.s32 s3, s31;
	s9 =	ssub.s32 s30, s9  }
0xc: {  	vm10 =	vcmask $0x272C;
	vm11 =	vcmask $0x2B30;
	vm12 =	vcmask $0x2F34;
	s4 =	sadd.s32 s4, s7;
	s5 =	sadd.s32 $0x80, s3;
	s6 =	sadd.s32 $0x200, s8  }
0xd: {  	vm13 =	vcmask $0x3338;
	vm14 =	vcmask $0x373C;
	vm15 =	vmmov $0x7fff;
	s7 =	smax.u32 s9, $0x1;
	s8 =	simm.s32 $0x2;
	s9 =	simm.s32 $0x400  }
.LBB2_1:
0xe: {  	[tilespmem:s2], [sflag:$0x2] =	stream.linear.gather [hbm4b:s4+s2], $0x100, $0x38;
	[tilespmem:$0x1F580] =	vst v63  }
0xf: {  	_ =	swait.ge [sflag:s8], $0x100  }
0x10: {  	[sflag:s8] =	ssyncset.done $0x0  }
0x11: {  	[sflag:s8] =	ssyncadd.s32 $0xFFFFFF00  }
0x12: {  	[tilespmem:s11], [sflag:$0x1] =	stream.strided.gather [hbm4b:s3+s9], $0x1F400, s10, s9, $0x38;
	[tilespmem:$0x1F580] =	vst v63  }
0x13: {  	_ =	swait.ge [sflag:s12], $0x1F400  }
0x14: {  	[sflag:s12] =	ssyncset.done $0x0  }
0x15: {  	s15 =	simm.s32 $0x0;
	[sflag:s12] =	ssyncadd.s32 $0xFFFE0C00  }
0x16: {  	v0 =	vld [tilespmem:s15+$0x0];
	_ =	sdelay $0x4  }
0x17: {  	v0 =	vshll.u32 v0, $0x9  }
0x18: {  	v0 =	vshra.s32 v0, $0x2  }
0x19: {  	v0 =	vadd.s32 s15, v0  }
0x1a: {  	v0 =	vadd.s32 $0x100, v0  }
0x1b: {  	(v2sf) =	vpush v0, $0x0;
	_ =	sdelay $0x1  }
0x1c: {  	(v2sf) =	vpush v0, $0x1;
	_ =	sdelay $0x1  }
0x1d: {  	(v2sf) =	vpush v0, $0x2;
	_ =	sdelay $0x1  }
0x1e: {  	(v2sf) =	vpush v0, $0x3;
	_ =	sdelay $0x1  }
0x1f: {  	(v2sf) =	vpush v0, $0x4;
	_ =	sdelay $0x1  }
0x20: {  	(v2sf) =	vpush v0, $0x5;
	_ =	sdelay $0x1  }
0x21: {  	(v2sf) =	vpush v0, $0x6;
	_ =	sdelay $0x1  }
0x22: {  	(v2sf) =	vpush v0, $0x7  }
0x23: {  	s29 =	spop (v2sf)  }
0x24: {  	(v2sf) =	vpush v0, $0x8;
	v2 =	vld [tilespmem:s29+$0x0]  }
0x25: {  	s30 =	spop (v2sf)  }
0x26: {  	(v2sf) =	vpush v0, $0x9;
	v3 =	vld [tilespmem:s30+$0x0]  }
0x27: {  	s31 =	spop (v2sf)  }
0x28: {  	(v2sf) =	vpush v0, $0xA;
	v1 =	vld [tilespmem:s31+$0x0]  }
0x29: {  	v4 =	vimm.f32 $0.0e+00;
	s17 =	spop (v2sf);
	v2 =	vnsel vm0, $0x0, v2  }
0x2a: {  	s16 =	simm.s32 $0x10;
	s15 =	simm.s32 $0x80;
	(v2sf) =	vpush v0, $0xB;
	v4 =	vadd.f32 v2, v4;
	v2 =	vld [tilespmem:s17+$0x0]  }
.LBB2_2:
0x2b: {  	p0 =	sne.s32 s15, $0x1C0;
	v5 =	vld [tilespmem:s16+$0x0];
	v3 =	vsel vm1, $0x0, v3;
	s17 =	spop (v2sf)  }
0x2c: {  	v3 =	vadd.f32 v3, v4;
	v4 =	vld [tilespmem:s17+$0x0];
	(v2sf) =	vpush v0, $0xC  }
0x2d: {  	v1 =	vsel vm2, $0x0, v1;
	s17 =	spop (v2sf)  }
0x2e: {  	v1 =	vadd.f32 v1, v3;
	v3 =	vld [tilespmem:s17+$0x0];
	(v2sf) =	vpush v0, $0xD  }
0x2f: {  	v2 =	vsel vm3, $0x0, v2;
	s17 =	spop (v2sf)  }
0x30: {  	v5 =	vshll.u32 v5, $0x9;
	v1 =	vadd.f32 v2, v1;
	v2 =	vld [tilespmem:s17+$0x0];
	(v2sf) =	vpush v0, $0xE  }
0x31: {  	v5 =	vshra.s32 v5, $0x2;
	v4 =	vsel vm4, $0x0, v4;
	s17 =	spop (v2sf)  }
0x32: {  	v5 =	vadd.s32 s16, v5;
	v1 =	vadd.f32 v4, v1;
	v4 =	vld [tilespmem:s17+$0x0];
	(v2sf) =	vpush v0, $0xF  }
0x33: {  	v0 =	vadd.s32 $0x100, v5;
	v3 =	vsel vm5, $0x0, v3;
	s16 =	spop (v2sf)  }
0x34: {  	(v2sf) =	vpush v0, $0x0;
	v1 =	vadd.f32 v3, v1;
	v3 =	vld [tilespmem:s16+$0x0]  }
0x35: {  	v2 =	vsel vm6, $0x0, v2;
	s16 =	spop (v2sf)  }
0x36: {  	(v2sf) =	vpush v0, $0x1;
	v1 =	vadd.f32 v2, v1;
	v2 =	vld [tilespmem:s16+$0x0]  }
0x37: {  	v4 =	vsel vm7, $0x0, v4;
	s16 =	spop (v2sf)  }
0x38: {  	(v2sf) =	vpush v0, $0x2;
	v1 =	vadd.f32 v4, v1;
	v4 =	vld [tilespmem:s16+$0x0]  }
0x39: {  	v3 =	vsel vm8, $0x0, v3;
	s16 =	spop (v2sf)  }
0x3a: {  	(v2sf) =	vpush v0, $0x3;
	v1 =	vadd.f32 v3, v1;
	v3 =	vld [tilespmem:s16+$0x0]  }
0x3b: {  	v2 =	vsel vm9, $0x0, v2;
	s16 =	spop (v2sf)  }
0x3c: {  	(v2sf) =	vpush v0, $0x4;
	v1 =	vadd.f32 v2, v1;
	v2 =	vld [tilespmem:s16+$0x0]  }
0x3d: {  	v4 =	vsel vm10, $0x0, v4;
	s16 =	spop (v2sf)  }
0x3e: {  	(v2sf) =	vpush v0, $0x5;
	v1 =	vadd.f32 v4, v1;
	v4 =	vld [tilespmem:s16+$0x0]  }
0x3f: {  	v3 =	vsel vm11, $0x0, v3;
	s16 =	spop (v2sf)  }
0x40: {  	(v2sf) =	vpush v0, $0x6;
	v1 =	vadd.f32 v3, v1;
	v3 =	vld [tilespmem:s16+$0x0]  }
0x41: {  	v2 =	vsel vm12, $0x0, v2;
	s16 =	spop (v2sf)  }
0x42: {  	(v2sf) =	vpush v0, $0x7;
	v1 =	vadd.f32 v2, v1;
	v2 =	vld [tilespmem:s16+$0x0]  }
0x43: {  	s16 =	spop (v2sf);
	v4 =	vsel vm13, $0x0, v4  }
0x44: {  	v5 =	vld [tilespmem:s16+$0x0];
	(v2sf) =	vpush v0, $0x8;
	v1 =	vadd.f32 v4, v1  }
0x45: {  	s16 =	spop (v2sf);
	v4 =	vsel vm14, $0x0, v3  }
.Ltmp0:
0x46: {  	v3 =	vld [tilespmem:s16+$0x0];
	(v2sf) =	vpush v0, $0x9;
	v4 =	vadd.f32 v4, v1;
	(pc) =	sbr.rel @p0 .LBB2_2-.Ltmp0, $4  }
0x47: {  	s16 =	spop (v2sf);
	v2 =	vsel vm15, $0x0, v2  }
0x48: {  	v1 =	vld [tilespmem:s16+$0x0];
	(v2sf) =	vpush v0, $0xA;
	v2 =	vadd.f32 v2, v4  }
0x49: {  	v4 =	vnsel vm0, $0x0, v5;
	s17 =	spop (v2sf)  }
0x4a: {  	s16 =	sshra.s32 s15, $0x2;
	s15 =	sadd.s32 $0x40, s15;
	v4 =	vadd.f32 v4, v2;
	v2 =	vld [tilespmem:s17+$0x0];
	(v2sf) =	vpush v0, $0xB  }
0x4b: {  	v5 =	vld [tilespmem:s16+$0x0];
	_ =	sdelay $0x4  }
0x4c: {  	(v2sf) =	vpush v0, $0xC;
	v5 =	vshll.u32 v5, $0x9  }
0x4d: {  	(v2sf) =	vpush v0, $0xD;
	v5 =	vshra.s32 v5, $0x2  }
0x4e: {  	(v2sf) =	vpush v0, $0xE;
	v5 =	vadd.s32 s16, v5  }
0x4f: {  	(v2sf) =	vpush v0, $0xF;
	v0 =	vadd.s32 $0x100, v5  }
0x50: {  	(v2sf) =	vpush v0, $0x0  }
0x51: {  	(v2sf) =	vpush v0, $0x1  }
0x52: {  	(v2sf) =	vpush v0, $0x2  }
0x53: {  	s15 =	spop (v2sf);
	v3 =	vsel vm1, $0x0, v3;
	(v2sf) =	vpush v0, $0x3  }
0x54: {  	v3 =	vadd.f32 v3, v4;
	s30 =	spop (v2sf);
	v5 =	vld [tilespmem:s15+$0x0];
	(v2sf) =	vpush v0, $0x4  }
0x55: {  	v1 =	vsel vm2, $0x0, v1;
	v4 =	vld [tilespmem:s30+$0x0];
	s31 =	spop (v2sf);
	(v2sf) =	vpush v0, $0x5  }
0x56: {  	v1 =	vadd.f32 v1, v3;
	v6 =	vld [tilespmem:s31+$0x0];
	s16 =	spop (v2sf);
	(v2sf) =	vpush v0, $0x6  }
0x57: {  	v2 =	vsel vm3, $0x0, v2;
	v3 =	vld [tilespmem:s16+$0x0];
	s17 =	spop (v2sf);
	(v2sf) =	vpush v0, $0x7  }
0x58: {  	v1 =	vadd.f32 v2, v1;
	v7 =	vld [tilespmem:s17+$0x0];
	s18 =	spop (v2sf);
	(v2sf) =	vpush v0, $0x8  }
0x59: {  	v2 =	vld [tilespmem:s18+$0x0];
	s19 =	spop (v2sf);
	v5 =	vsel vm4, $0x0, v5;
	(v2sf) =	vpush v0, $0x9  }
0x5a: {  	v8 =	vld [tilespmem:s19+$0x0];
	s20 =	spop (v2sf);
	v1 =	vadd.f32 v5, v1;
	(v2sf) =	vpush v0, $0xA  }
0x5b: {  	v4 =	vsel vm5, $0x0, v4;
	v5 =	vld [tilespmem:s20+$0x0];
	s21 =	spop (v2sf);
	(v2sf) =	vpush v0, $0xB  }
0x5c: {  	v9 =	vld [tilespmem:s21+$0x0];
	s22 =	spop (v2sf);
	v1 =	vadd.f32 v4, v1;
	(v2sf) =	vpush v0, $0xC  }
0x5d: {  	v6 =	vsel vm6, $0x0, v6;
	v4 =	vld [tilespmem:s22+$0x0];
	s23 =	spop (v2sf);
	(v2sf) =	vpush v0, $0xD  }
0x5e: {  	v10 =	vld [tilespmem:s23+$0x0];
	s24 =	spop (v2sf);
	v1 =	vadd.f32 v6, v1;
	(v2sf) =	vpush v0, $0xE  }
0x5f: {  	v6 =	vld [tilespmem:s24+$0x0];
	s25 =	spop (v2sf);
	(v2sf) =	vpush v0, $0xF;
	v0 =	vsel vm7, $0x0, v3  }
0x60: {  	s26 =	spop (v2sf);
	v3 =	vld [tilespmem:s25+$0x0];
	v0 =	vadd.f32 v0, v1  }
0x61: {  	v7 =	vsel vm8, $0x0, v7;
	s28 =	spop (v2sf);
	v1 =	vld [tilespmem:s26+$0x0]  }
0x62: {  	s29 =	spop (v2sf);
	v11 =	vld [tilespmem:s28+$0x0];
	v0 =	vadd.f32 v7, v0  }
0x63: {  	v2 =	vsel vm9, $0x0, v2;
	s30 =	spop (v2sf);
	v7 =	vld [tilespmem:s29+$0x0]  }
0x64: {  	s31 =	spop (v2sf);
	v12 =	vld [tilespmem:s30+$0x0];
	v0 =	vadd.f32 v2, v0  }
0x65: {  	v8 =	vsel vm10, $0x0, v8;
	s17 =	spop (v2sf);
	v2 =	vld [tilespmem:s31+$0x0]  }
0x66: {  	s18 =	spop (v2sf);
	v13 =	vld [tilespmem:s17+$0x0];
	v0 =	vadd.f32 v8, v0  }
0x67: {  	v5 =	vsel vm11, $0x0, v5;
	v61 =	vld [tilespmem:s18+$0x0];
	s19 =	spop (v2sf)  }
0x68: {  	v14 =	vld [tilespmem:s19+$0x0];
	s20 =	spop (v2sf);
	v0 =	vadd.f32 v5, v0  }
0x69: {  	v9 =	vsel vm12, $0x0, v9;
	v5 =	vld [tilespmem:s20+$0x0];
	s21 =	spop (v2sf)  }
0x6a: {  	v15 =	vld [tilespmem:s21+$0x0];
	s22 =	spop (v2sf);
	v0 =	vadd.f32 v9, v0  }
0x6b: {  	v4 =	vsel vm13, $0x0, v4;
	v62 =	vld [tilespmem:s22+$0x0];
	s23 =	spop (v2sf)  }
0x6c: {  	v16 =	vld [tilespmem:s23+$0x0];
	s24 =	spop (v2sf);
	v0 =	vadd.f32 v4, v0  }
0x6d: {  	v10 =	vsel vm14, $0x0, v10;
	v4 =	vld [tilespmem:s24+$0x0];
	s25 =	spop (v2sf)  }
0x6e: {  	v17 =	vld [tilespmem:s25+$0x0];
	s26 =	spop (v2sf);
	v0 =	vadd.f32 v10, v0  }
0x6f: {  	v6 =	vsel vm15, $0x0, v6;
	v63 =	vld [tilespmem:s26+$0x0];
	[tilespmem:s11], [sflag:$0x1] =	stream.strided.gather [hbm4b:s5+s9], $0x1F400, s10, s9, $0x38  }
0x70: {  	v0 =	vadd.f32 v6, v0;
	_ =	swait.ge [sflag:s12], $0x1F400  }
0x71: {  	v3 =	vnsel vm0, $0x0, v3;
	[sflag:s12] =	ssyncset.done $0x0  }
0x72: {  	s28 =	simm.s32 $0x0;
	v0 =	vadd.f32 v3, v0;
	[sflag:s12] =	ssyncadd.s32 $0xFFFE0C00  }
0x73: {  	v1 =	vsel vm1, $0x0, v1;
	v3 =	vld [tilespmem:s28+$0x80]  }
0x74: {  	v0 =	vadd.f32 v1, v0  }
0x75: {  	v1 =	vsel vm2, $0x0, v11  }
0x76: {  	v0 =	vadd.f32 v1, v0  }
0x77: {  	v1 =	vsel vm3, $0x0, v7  }
0x78: {  	v0 =	vadd.f32 v1, v0;
	v1 =	vshll.u32 v3, $0x9  }
0x79: {  	v3 =	vsel vm4, $0x0, v12;
	v1 =	vshra.s32 v1, $0x2  }
0x7a: {  	v3 =	vadd.f32 v3, v0;
	v0 =	vadd.s32 s28, v1  }
0x7b: {  	v0 =	vadd.s32 $0x100, v0  }
0x7c: {  	(v2sf) =	vpush v0, $0x0;
	_ =	sdelay $0x1  }
0x7d: {  	v1 =	vsel vm5, $0x0, v2  }
0x7e: {  	v1 =	vadd.f32 v1, v3  }
0x7f: {  	v2 =	vsel vm6, $0x0, v13  }
0x80: {  	v1 =	vadd.f32 v2, v1  }
0x81: {  	v2 =	vsel vm7, $0x0, v61  }
0x82: {  	(v2sf) =	vpush v0, $0x1;
	v1 =	vadd.f32 v2, v1  }
0x83: {  	v2 =	vsel vm8, $0x0, v14  }
0x84: {  	(v2sf) =	vpush v0, $0x2;
	v1 =	vadd.f32 v2, v1  }
0x85: {  	v2 =	vsel vm9, $0x0, v5  }
0x86: {  	(v2sf) =	vpush v0, $0x3;
	v1 =	vadd.f32 v2, v1  }
0x87: {  	v2 =	vsel vm10, $0x0, v15  }
0x88: {  	(v2sf) =	vpush v0, $0x4;
	v1 =	vadd.f32 v2, v1  }
0x89: {  	v2 =	vsel vm11, $0x0, v62  }
0x8a: {  	v1 =	vadd.f32 v2, v1;
	s29 =	spop (v2sf);
	(v2sf) =	vpush v0, $0x5  }
0x8b: {  	v2 =	vsel vm12, $0x0, v16  }
0x8c: {  	v1 =	vadd.f32 v2, v1;
	(v2sf) =	vpush v0, $0x6  }
0x8d: {  	v2 =	vsel vm13, $0x0, v4  }
0x8e: {  	v1 =	vadd.f32 v2, v1;
	(v2sf) =	vpush v0, $0x7  }
0x8f: {  	v2 =	vsel vm14, $0x0, v17  }
0x90: {  	v3 =	vld [tilespmem:s29+$0x0];
	v1 =	vadd.f32 v2, v1;
	(v2sf) =	vpush v0, $0x8  }
0x91: {  	s30 =	spop (v2sf);
	v2 =	vsel vm15, $0x0, v63  }
0x92: {  	(v2sf) =	vpush v0, $0x9;
	v4 =	vadd.f32 v2, v1;
	v2 =	vld [tilespmem:s30+$0x0]  }
0x93: {  	s31 =	spop (v2sf)  }
0x94: {  	v1 =	vld [tilespmem:s31+$0x0];
	(v2sf) =	vpush v0, $0xA  }
0x95: {  	s17 =	spop (v2sf);
	v3 =	vnsel vm0, $0x0, v3  }
0x96: {  	s16 =	simm.s32 $0x10;
	s15 =	simm.s32 $0x80;
	(v2sf) =	vpush v0, $0xB;
	v4 =	vadd.f32 v3, v4;
	v3 =	vld [tilespmem:s17+$0x0]  }
.LBB2_4:
0x97: {  	p0 =	sne.s32 s15, $0x1C0;
	v5 =	vld [tilespmem:s16+$0x80];
	v2 =	vsel vm1, $0x0, v2;
	s17 =	spop (v2sf)  }
0x98: {  	v2 =	vadd.f32 v2, v4;
	v4 =	vld [tilespmem:s17+$0x0];
	(v2sf) =	vpush v0, $0xC  }
0x99: {  	v1 =	vsel vm2, $0x0, v1;
	s17 =	spop (v2sf)  }
0x9a: {  	v1 =	vadd.f32 v1, v2;
	v2 =	vld [tilespmem:s17+$0x0];
	(v2sf) =	vpush v0, $0xD  }
0x9b: {  	v3 =	vsel vm3, $0x0, v3;
	s17 =	spop (v2sf)  }
0x9c: {  	v5 =	vshll.u32 v5, $0x9;
	v1 =	vadd.f32 v3, v1;
	v3 =	vld [tilespmem:s17+$0x0];
	(v2sf) =	vpush v0, $0xE  }
0x9d: {  	v5 =	vshra.s32 v5, $0x2;
	v4 =	vsel vm4, $0x0, v4;
	s17 =	spop (v2sf)  }
0x9e: {  	v5 =	vadd.s32 s16, v5;
	v1 =	vadd.f32 v4, v1;
	v4 =	vld [tilespmem:s17+$0x0];
	(v2sf) =	vpush v0, $0xF  }
0x9f: {  	v0 =	vadd.s32 $0x100, v5;
	v2 =	vsel vm5, $0x0, v2;
	s16 =	spop (v2sf)  }
0xa0: {  	(v2sf) =	vpush v0, $0x0;
	v1 =	vadd.f32 v2, v1;
	v2 =	vld [tilespmem:s16+$0x0]  }
0xa1: {  	v3 =	vsel vm6, $0x0, v3;
	s16 =	spop (v2sf)  }
0xa2: {  	(v2sf) =	vpush v0, $0x1;
	v1 =	vadd.f32 v3, v1;
	v3 =	vld [tilespmem:s16+$0x0]  }
0xa3: {  	v4 =	vsel vm7, $0x0, v4;
	s16 =	spop (v2sf)  }
0xa4: {  	(v2sf) =	vpush v0, $0x2;
	v1 =	vadd.f32 v4, v1;
	v4 =	vld [tilespmem:s16+$0x0]  }
0xa5: {  	v2 =	vsel vm8, $0x0, v2;
	s16 =	spop (v2sf)  }
0xa6: {  	(v2sf) =	vpush v0, $0x3;
	v1 =	vadd.f32 v2, v1;
	v2 =	vld [tilespmem:s16+$0x0]  }
0xa7: {  	v3 =	vsel vm9, $0x0, v3;
	s16 =	spop (v2sf)  }
0xa8: {  	(v2sf) =	vpush v0, $0x4;
	v1 =	vadd.f32 v3, v1;
	v3 =	vld [tilespmem:s16+$0x0]  }
0xa9: {  	v4 =	vsel vm10, $0x0, v4;
	s16 =	spop (v2sf)  }
0xaa: {  	(v2sf) =	vpush v0, $0x5;
	v1 =	vadd.f32 v4, v1;
	v4 =	vld [tilespmem:s16+$0x0]  }
0xab: {  	v2 =	vsel vm11, $0x0, v2;
	s16 =	spop (v2sf)  }
0xac: {  	(v2sf) =	vpush v0, $0x6;
	v1 =	vadd.f32 v2, v1;
	v2 =	vld [tilespmem:s16+$0x0]  }
0xad: {  	v3 =	vsel vm12, $0x0, v3;
	s16 =	spop (v2sf)  }
0xae: {  	(v2sf) =	vpush v0, $0x7;
	v1 =	vadd.f32 v3, v1;
	v3 =	vld [tilespmem:s16+$0x0]  }
0xaf: {  	s16 =	spop (v2sf);
	v4 =	vsel vm13, $0x0, v4  }
0xb0: {  	v5 =	vld [tilespmem:s16+$0x0];
	(v2sf) =	vpush v0, $0x8;
	v1 =	vadd.f32 v4, v1  }
0xb1: {  	s16 =	spop (v2sf);
	v4 =	vsel vm14, $0x0, v2  }
.Ltmp1:
0xb2: {  	v2 =	vld [tilespmem:s16+$0x0];
	(v2sf) =	vpush v0, $0x9;
	v4 =	vadd.f32 v4, v1;
	(pc) =	sbr.rel @p0 .LBB2_4-.Ltmp1, $4  }
0xb3: {  	s16 =	spop (v2sf);
	v3 =	vsel vm15, $0x0, v3  }
0xb4: {  	v1 =	vld [tilespmem:s16+$0x0];
	(v2sf) =	vpush v0, $0xA;
	v3 =	vadd.f32 v3, v4  }
0xb5: {  	v4 =	vnsel vm0, $0x0, v5;
	s17 =	spop (v2sf)  }
0xb6: {  	s16 =	sshra.s32 s15, $0x2;
	s15 =	sadd.s32 $0x40, s15;
	v4 =	vadd.f32 v4, v3;
	v3 =	vld [tilespmem:s17+$0x0];
	(v2sf) =	vpush v0, $0xB  }
0xb7: {  	v5 =	vld [tilespmem:s16+$0x80];
	v2 =	vsel vm1, $0x0, v2;
	s15 =	spop (v2sf)  }
0xb8: {  	(v2sf) =	vpush v0, $0xC;
	v2 =	vadd.f32 v2, v4;
	v30 =	vld [tilespmem:s15+$0x0]  }
0xb9: {  	v1 =	vsel vm2, $0x0, v1;
	s19 =	spop (v2sf)  }
0xba: {  	(v2sf) =	vpush v0, $0xD;
	v1 =	vadd.f32 v1, v2;
	v31 =	vld [tilespmem:s19+$0x0]  }
0xbb: {  	v3 =	vsel vm3, $0x0, v3;
	s20 =	spop (v2sf)  }
0xbc: {  	(v2sf) =	vpush v0, $0xE;
	v5 =	vshll.u32 v5, $0x9;
	v1 =	vadd.f32 v3, v1;
	v32 =	vld [tilespmem:s20+$0x0]  }
0xbd: {  	v5 =	vshra.s32 v5, $0x2;
	v4 =	vsel vm4, $0x0, v30;
	s21 =	spop (v2sf)  }
0xbe: {  	(v2sf) =	vpush v0, $0xF;
	v5 =	vadd.s32 s16, v5;
	v1 =	vadd.f32 v4, v1;
	v33 =	vld [tilespmem:s21+$0x0]  }
0xbf: {  	v34 =	vadd.s32 $0x100, v5;
	v2 =	vsel vm5, $0x0, v31;
	s22 =	spop (v2sf)  }
0xc0: {  	(v2sf) =	vpush v34, $0x0;
	v1 =	vadd.f32 v2, v1;
	v35 =	vld [tilespmem:s22+$0x0]  }
0xc1: {  	v3 =	vsel vm6, $0x0, v32;
	s23 =	spop (v2sf)  }
0xc2: {  	(v2sf) =	vpush v34, $0x1;
	v1 =	vadd.f32 v3, v1;
	v36 =	vld [tilespmem:s23+$0x0]  }
0xc3: {  	v4 =	vsel vm7, $0x0, v33;
	s24 =	spop (v2sf)  }
0xc4: {  	(v2sf) =	vpush v34, $0x2;
	v1 =	vadd.f32 v4, v1;
	v37 =	vld [tilespmem:s24+$0x0]  }
0xc5: {  	v2 =	vsel vm8, $0x0, v35;
	s25 =	spop (v2sf)  }
0xc6: {  	(v2sf) =	vpush v34, $0x3;
	v1 =	vadd.f32 v2, v1;
	v38 =	vld [tilespmem:s25+$0x0]  }
0xc7: {  	s26 =	spop (v2sf);
	v3 =	vsel vm9, $0x0, v36  }
0xc8: {  	(v2sf) =	vpush v34, $0x4;
	v39 =	vld [tilespmem:s26+$0x0];
	v1 =	vadd.f32 v3, v1  }
0xc9: {  	s28 =	spop (v2sf);
	v4 =	vsel vm10, $0x0, v37  }
0xca: {  	(v2sf) =	vpush v34, $0x5;
	v40 =	vld [tilespmem:s28+$0x0];
	v1 =	vadd.f32 v4, v1  }
0xcb: {  	s29 =	spop (v2sf);
	v2 =	vsel vm11, $0x0, v38  }
0xcc: {  	(v2sf) =	vpush v34, $0x6;
	v41 =	vld [tilespmem:s29+$0x0];
	v1 =	vadd.f32 v2, v1  }
0xcd: {  	v3 =	vsel vm12, $0x0, v39;
	s30 =	spop (v2sf)  }
0xce: {  	(v2sf) =	vpush v34, $0x7;
	v42 =	vld [tilespmem:s30+$0x0];
	v1 =	vadd.f32 v3, v1  }
0xcf: {  	v4 =	vsel vm13, $0x0, v40;
	s31 =	spop (v2sf)  }
0xd0: {  	(v2sf) =	vpush v34, $0x8;
	v43 =	vld [tilespmem:s31+$0x0];
	v1 =	vadd.f32 v4, v1  }
0xd1: {  	s16 =	spop (v2sf);
	v2 =	vsel vm14, $0x0, v41  }
0xd2: {  	(v2sf) =	vpush v34, $0x9;
	v44 =	vld [tilespmem:s16+$0x0];
	v1 =	vadd.f32 v2, v1  }
0xd3: {  	s17 =	spop (v2sf);
	v45 =	vsel vm15, $0x0, v42  }
0xd4: {  	(v2sf) =	vpush v34, $0xA;
	v46 =	vld [tilespmem:s17+$0x0];
	v1 =	vadd.f32 v45, v1  }
0xd5: {  	s18 =	spop (v2sf);
	v47 =	vnsel vm0, $0x0, v43  }
0xd6: {  	(v2sf) =	vpush v34, $0xB;
	v48 =	vld [tilespmem:s18+$0x0];
	v1 =	vadd.f32 v47, v1  }
0xd7: {  	s19 =	spop (v2sf);
	v4 =	vsel vm1, $0x0, v44  }
0xd8: {  	(v2sf) =	vpush v34, $0xC;
	v49 =	vld [tilespmem:s19+$0x0];
	v1 =	vadd.f32 v4, v1  }
0xd9: {  	s20 =	spop (v2sf);
	v3 =	vsel vm2, $0x0, v46  }
0xda: {  	(v2sf) =	vpush v34, $0xD;
	v50 =	vld [tilespmem:s20+$0x0];
	v1 =	vadd.f32 v3, v1  }
0xdb: {  	s21 =	spop (v2sf);
	v2 =	vsel vm3, $0x0, v48  }
0xdc: {  	(v2sf) =	vpush v34, $0xE;
	v51 =	vld [tilespmem:s21+$0x0];
	v1 =	vadd.f32 v2, v1  }
0xdd: {  	v4 =	vsel vm4, $0x0, v49;
	s22 =	spop (v2sf)  }
0xde: {  	(v2sf) =	vpush v34, $0xF;
	v52 =	vld [tilespmem:s22+$0x0];
	v1 =	vadd.f32 v4, v1  }
0xdf: {  	v53 =	vsel vm5, $0x0, v50;
	s23 =	spop (v2sf)  }
0xe0: {  	v54 =	vld [tilespmem:s23+$0x0];
	v0 =	vadd.f32 v53, v1  }
0xe1: {  	v2 =	vsel vm6, $0x0, v51;
	s24 =	spop (v2sf)  }
0xe2: {  	v55 =	vld [tilespmem:s24+$0x0];
	v0 =	vadd.f32 v2, v0  }
0xe3: {  	v56 =	vsel vm7, $0x0, v52;
	s25 =	spop (v2sf)  }
0xe4: {  	v57 =	vld [tilespmem:s25+$0x0];
	v0 =	vadd.f32 v56, v0  }
0xe5: {  	s26 =	spop (v2sf);
	v1 =	vsel vm8, $0x0, v54  }
0xe6: {  	v58 =	vld [tilespmem:s26+$0x0];
	v0 =	vadd.f32 v1, v0  }
0xe7: {  	s28 =	spop (v2sf);
	v2 =	vsel vm9, $0x0, v55  }
0xe8: {  	v59 =	vld [tilespmem:s28+$0x0];
	v0 =	vadd.f32 v2, v0  }
0xe9: {  	s29 =	spop (v2sf);
	v3 =	vsel vm10, $0x0, v57  }
0xea: {  	v60 =	vld [tilespmem:s29+$0x0];
	v0 =	vadd.f32 v3, v0  }
0xeb: {  	s30 =	spop (v2sf);
	v1 =	vsel vm11, $0x0, v58  }
0xec: {  	v61 =	vld [tilespmem:s30+$0x0];
	v0 =	vadd.f32 v1, v0  }
0xed: {  	v2 =	vsel vm12, $0x0, v59;
	s31 =	spop (v2sf)  }
0xee: {  	v62 =	vld [tilespmem:s31+$0x0];
	v0 =	vadd.f32 v2, v0  }
0xef: {  	v3 =	vsel vm13, $0x0, v60  }
0xf0: {  	v0 =	vadd.f32 v3, v0  }
0xf1: {  	v1 =	vsel vm14, $0x0, v61  }
0xf2: {  	v0 =	vadd.f32 v1, v0  }
0xf3: {  	v63 =	vsel vm15, $0x0, v62  }
0xf4: {  	s14 =	sadd.s32 $0x1, s14;
	v0 =	vadd.f32 v63, v0  }
0xf5: {  	p0 =	sne.s32 s14, s7  }
.Ltmp2:
0xf6: {  	[tilespmem:$0x1F500] =	vst v0;
	(pc) =	sbr.rel @p0 .LBB2_1-.Ltmp2, $4  }
0xf7: {  	[hbm4b:s6+s2] =	stream.linear.scatter [tilespmem:s13], [sflag:$0x2], $0x80, $0x38;
	[tilespmem:$0x1F580] =	vst v63  }
0xf8: {  	_ =	swait.ge [sflag:s8], $0x80  }
0xf9: {  	[sflag:s8] =	ssyncset.done $0x0  }
0xfa: {  	[sflag:s8] =	ssyncadd.s32 $0xFFFFFF80  }
0xfb: {  	_ =	sfence.sel $0x180000  }
0xfc: {  	[bflag:$0x0] =	sbarrier.arrive $0xFFFF  }
0xfd: {  	p0 =	sne.s32 s1, $0x0;
	_ =	strace $0x90000047  }
0xfe: {  	s0 =	sadd.s32 @!p0 $0x100000, s0;
	[bflag:$0x2] =	sbarrier.arrive $0xFFFF  }
0xff: {  	[sflag:s0] =	ssyncadd.tile.s32 @!p0 $0x1;
	_ =	shalt  }
.Lfunc_end2:
_tile_overlayer_lowered:
.L_overlay_start_2:
0x100: {  	(tag) =	ssettag $0x2  }
0x101: {  	s0 =	rddreg [dreg:$0x0];
	s2 =	stileid.u32  }
0x102: {  	s1 =	rddreg [dreg:$0x1];
	p0 =	sne.s32 s2, $0x0  }
0x103: {  	s3 =	rddreg [dreg:$0x2];
	[bflag:$0x3] =	sbarrier.arrive $0xFFFF;
	s2 =	simm.s32 @!p0 $0x1C02  }
0x104: {  	[timem:s3], [sflag:s2] =	dma.local @!p0 [hbm:s0], s1  }
0x105: {  	s0 =	simm.s32 @!p0 $0x2  }
0x106: {  	_ =	swait.ge @!p0 [sflag:s0], s1  }
0x107: {  	s1 =	ssub.s32 @!p0 $0x0, s1;
	[sflag:s0] =	ssyncset.done @!p0 $0x0  }
0x108: {  	[sflag:s0] =	ssyncadd.s32 @!p0 s1  }
0x109: {  	[bflag:$0x3] =	sbarrier.arrive $0xFFFF  }
0x10a: {  	_ =	shalt  }

</sc_bundles>
